<compile_context>
chip_gen: v7x
topology: tpu7x:2x2x1
jax: 0.10.2.dev20260603
libtpu: 0.0.44.dev20260713+nightly
codegen_flags: <defaults>
</compile_context>

<pallas_src>
import functools

import jax
import jax.numpy as jnp
from jax import lax
from jax.experimental import pallas as pl
from jax.experimental.pallas import tpu as pltpu
from jax.experimental.pallas import tpu_sc as plsc

N = 5000
D = 32
B = 2
NBINS = 10
BIN = 500
SBIN = 512
K = 5
P = NBINS * SBIN
PAD = P - N
GPB = SBIN - BIN
RB = 200
NW = 32
RPW = (B * P) // NW
CH = 4
CW = RPW // CH


def _k1_body(pts_ref, mul_ref, pos_ref, comb_ref):
    b = pl.program_id(0)
    pts = pts_ref[0]
    mul = mul_ref[0]
    cmul = jnp.concatenate([mul, -mul], axis=1)
    m = jnp.max(cmul, axis=1, keepdims=True)
    li10 = lax.broadcasted_iota(jnp.int32, (N, NBINS), 1)
    binr = jnp.min(jnp.where(cmul == m, li10, 100), axis=1, keepdims=True)
    li16 = lax.broadcasted_iota(jnp.int32, (N, 16), 1)
    oh = jnp.where(li16 == binr, 1.0, 0.0)
    cs = oh
    s = 1
    while s < N:
        shifted = jnp.concatenate(
            [jnp.zeros((s, 16), jnp.float32), cs[: N - s, :]], axis=0)
        cs = cs + shifted
        s *= 2
    excl = cs - oh
    counts = jnp.sum(oh, axis=0, keepdims=True)
    st = counts
    s = 1
    while s < 16:
        shifted = jnp.concatenate(
            [jnp.zeros((1, s), jnp.float32), st[:, : 16 - s]], axis=1)
        st = st + shifted
        s *= 2
    starts = st - counts
    pos = jnp.sum((excl + starts) * oh, axis=1, keepdims=True)
    pi = pos.astype(jnp.int32)
    pos_ref[0] = SBIN * (pi // BIN) + pi % BIN + P * b

    idcol = lax.broadcasted_iota(jnp.int32, (P, 1), 0).astype(jnp.float32)
    pts_pad = jnp.concatenate(
        [pts, jnp.zeros((PAD, D), jnp.float32)], axis=0)
    comb_ref[...] = jnp.concatenate(
        [pts_pad, idcol, jnp.zeros((P, 128 - D - 1), jnp.float32)], axis=1)


def _k1_call(points, mul):
    return pl.pallas_call(
        _k1_body,
        grid=(B,),
        in_specs=[
            pl.BlockSpec((1, N, D), lambda b: (b, 0, 0)),
            pl.BlockSpec((1, N, 5), lambda b: (b, 0, 0)),
        ],
        out_specs=[
            pl.BlockSpec((1, N, 1), lambda b: (b, 0, 0)),
            pl.BlockSpec((P, 128), lambda b: (b, 0)),
        ],
        out_shape=[
            jax.ShapeDtypeStruct((B, N, 1), jnp.int32),
            jax.ShapeDtypeStruct((B * P, 128), jnp.float32),
        ],
    )(points, mul)


def _sc_scatter(idx, data):
    mesh = plsc.VectorSubcoreMesh(core_axis_name="c", subcore_axis_name="s")

    @functools.partial(
        pl.kernel,
        mesh=mesh,
        out_type=jax.ShapeDtypeStruct((B * P, 128), jnp.float32),
        scratch_types=[
            pltpu.VMEM((CH, CW), jnp.int32),
            pltpu.VMEM((RPW, 128), jnp.float32),
            pltpu.SemaphoreType.DMA,
        ],
    )
    def scat(idx_hbm, data_hbm, out_hbm, idx_v, rows_v, sem):
        wid = lax.axis_index("s") * 2 + lax.axis_index("c")
        base = wid * RPW
        for j in range(CH):
            pltpu.sync_copy(idx_hbm.at[pl.ds(base + j * CW, CW)], idx_v.at[j])
        pltpu.sync_copy(data_hbm.at[pl.ds(base, RPW)], rows_v)
        copies = []
        for j in range(CH):
            copies.append(
                pltpu.async_copy(
                    rows_v.at[pl.ds(j * CW, CW)], out_hbm.at[idx_v.at[j]], sem))
        for c in copies:
            c.wait()

    return scat(idx, data)


def _k3_body(sc_ref, erow_ref, eidx_ref):
    b = pl.program_id(0)
    i = pl.program_id(1)
    blk = sc_ref[0]
    pts = blk[:, :D]
    ids = blk[:, D:D + 1]
    g = lax.dot_general(pts, pts, (((1,), (1,)), ((), ())),
                        preferred_element_type=jnp.float32)
    na = jnp.sum(pts * pts, axis=1, keepdims=True)
    ii = jnp.where(
        lax.broadcasted_iota(jnp.int32, (SBIN, SBIN), 0)
        == lax.broadcasted_iota(jnp.int32, (SBIN, SBIN), 1), 1.0, 0.0)
    nb = jnp.sum(ii * na, axis=0, keepdims=True)
    idsr = jnp.sum(ii * ids, axis=0, keepdims=True)
    iota_l = lax.broadcasted_iota(jnp.int32, (SBIN, SBIN), 1)
    d2 = jnp.maximum(na - 2.0 * g + nb, 1e-6)
    d2 = jnp.where(iota_l < BIN, d2, 3.0e38)
    idsb = jnp.broadcast_to(idsr, (SBIN, SBIN))
    work = d2
    vals = []
    cols = []
    for _ in range(K):
        mn = jnp.min(work, axis=1, keepdims=True)
        loc = jnp.min(jnp.where(work == mn, iota_l, 10 ** 9), axis=1,
                      keepdims=True)
        sel = iota_l == loc
        colg = jnp.sum(jnp.where(sel, idsb, 0.0), axis=1, keepdims=True)
        vals.append(mn)
        cols.append(colg)
        work = jnp.where(sel, 3.4e38, work)
    d2k = jnp.concatenate(vals, axis=1)
    dmv = jnp.exp(-0.1 * jnp.sqrt(d2k))
    colk = jnp.concatenate(cols, axis=1)
    erow_ref[0] = jnp.concatenate(
        [dmv, colk, jnp.zeros((SBIN, 128 - 2 * K), jnp.float32)], axis=1)
    li = lax.broadcasted_iota(jnp.int32, (1, SBIN), 1)
    eidx_ref[0, 0] = jnp.where(
        li < BIN, idsr.astype(jnp.int32), N + GPB * i + (li - BIN)) + P * b


def _k3_call(sorted_comb):
    return pl.pallas_call(
        _k3_body,
        grid=(B, NBINS),
        in_specs=[pl.BlockSpec((1, SBIN, 128), lambda b, i: (b, i, 0))],
        out_specs=[
            pl.BlockSpec((1, SBIN, 128), lambda b, i: (b, i, 0)),
            pl.BlockSpec((1, 1, 1, SBIN), lambda b, i: (b, i, 0, 0)),
        ],
        out_shape=[
            jax.ShapeDtypeStruct((B, P, 128), jnp.float32),
            jax.ShapeDtypeStruct((B, NBINS, 1, SBIN), jnp.int32),
        ],
    )(sorted_comb)


def _e_body(ge_ref, out_ref):
    ent = ge_ref[0]
    iota_l = lax.broadcasted_iota(jnp.int32, (RB, N), 1)
    acc = jnp.zeros((RB, N), jnp.float32)
    for j in range(K):
        v = ent[:, j:j + 1]
        c = ent[:, K + j:K + j + 1].astype(jnp.int32)
        acc = acc + jnp.where(iota_l == c, v, 0.0)
    out_ref[0] = acc


def _e_call(ge):
    return pl.pallas_call(
        _e_body,
        grid=(B, N // RB),
        in_specs=[pl.BlockSpec((1, RB, 128), lambda b, r: (b, r, 0))],
        out_specs=pl.BlockSpec((1, RB, N), lambda b, r: (b, r, 0)),
        out_shape=jax.ShapeDtypeStruct((B, N, N), jnp.float32),
        compiler_params=pltpu.CompilerParams(
            dimension_semantics=("parallel", "parallel")),
    )(ge)


def kernel(points, rotations):
    rot5 = rotations[:, : NBINS // 2]
    mul = jnp.matmul(points, rot5)

    pos, comb = _k1_call(points, mul)
    t = jnp.arange(PAD, dtype=jnp.int32)
    padi = (SBIN * (t // GPB) + BIN + t % GPB)[None, :] \
        + P * jnp.arange(B, dtype=jnp.int32)[:, None]
    pflat = jnp.concatenate(
        [pos.reshape(B, N), padi], axis=1).reshape(B * P)
    sorted_comb = _sc_scatter(pflat, comb)

    erows, eidx = _k3_call(sorted_comb.reshape(B, P, 128))
    ge = _sc_scatter(eidx.reshape(B * P), erows.reshape(B * P, 128))

    ge_u = ge.reshape(B, P, 128)[:, :N, :]
    return _e_call(ge_u)

# --- scband reference (transcript-rebuilt; emitter-appended) ---
"""Pipeline reference for scband-pfnet-29008209117479 (READ-ONLY COPY).

The authoritative reference and input builder live on the scoring server;
editing this copy changes nothing except your own understanding.
"""

import jax, jax.numpy as jnp
import numpy as np

MAX_NUM_BINS = 200
BIN_SIZE = 500
NUM_NEIGHBORS = 5
DIST_MULT = 0.1


def pairwise_dist(A, B):
    na = jnp.sum(jnp.square(A), -1)[..., :, None]
    nb = jnp.sum(jnp.square(B), -1)[..., None, :]
    return jnp.sqrt(jnp.maximum(na - 2.0 * jnp.matmul(A, jnp.swapaxes(B, -1, -2)) + nb, 1e-6))


def setup_inputs(seed: int = 0):
    key = jax.random.key(seed)
    k1, k2 = jax.random.split(key)
    points = jax.random.normal(k1, (2, 5000, 32), dtype=jnp.float32)
    # LSH codebook random rotations (non-trainable weight of SparseHashedNNDistance)
    rotations = jax.random.normal(k2, (32, MAX_NUM_BINS // 2), dtype=jnp.float32) * 0.05
    return {"points": points, "rotations": rotations}


def _sparse_dm_single(pts, rotations):
    # pts: [n_points, d]
    n_points = pts.shape[0]
    n_bins = n_points // BIN_SIZE
    # LSH hashing: project onto random rotations, sign-split into 2*(n_bins//2) buckets
    mul = jnp.matmul(pts, rotations[:, : n_bins // 2])
    cmul = jnp.concatenate([mul, -mul], axis=-1)
    bin_idx = jnp.argmax(cmul, axis=-1)
    bins_split = jnp.argsort(bin_idx).reshape(n_bins, BIN_SIZE)  # [n_bins, bin_size]
    # gather points into bins
    parts = jnp.take(pts, bins_split, axis=0)  # [n_bins, bin_size, d]
    # per-bin pairwise distance kernel dm = exp(-dist_mult * ||a-b||)
    dm = jnp.exp(-DIST_MULT * pairwise_dist(parts, parts))  # [n_bins, bin_size, bin_size]
    # k nearest neighbors within each bin
    top_vals, top_inds = jax.lax.top_k(dm, NUM_NEIGHBORS)  # [n_bins, bin_size, k]
    # map bin-local neighbor indices back to global point indices
    dst = bins_split[jnp.arange(n_bins)[:, None, None], top_inds]  # [n_bins, bin_size, k]
    src = jnp.broadcast_to(bins_split[:, :, None], top_inds.shape)  # [n_bins, bin_size, k]
    # scatter-add kNN kernel values into dense [n_points, n_points] adjacency
    # (equivalent of tf.sparse.add over the per-neighbor SparseTensors)
    out = jnp.zeros((n_points, n_points), dtype=jnp.float32)
    out = out.at[src.reshape(-1), dst.reshape(-1)].add(top_vals.reshape(-1))
    return out


def reference(points, rotations):
    # points: [B, n_points, d] -> dense adjacency [B, n_points, n_points]
    return jax.vmap(lambda p: _sparse_dm_single(p, rotations))(points)

if __name__ == "__main__":
    import jax
    _d = setup_inputs()
    print(jax.jit(kernel)(*tuple(_d.values())))

</pallas_src>

<mosaic_0001>
#map = affine_map<(d0, d1) -> (0)>
#map1 = affine_map<(d0, d1) -> (0, 0)>
module attributes {stable_mosaic.version = 14 : i64} {
  func.func @scat(%arg0: i32, %arg1: i32, %arg2: memref<10240xi32, #tpu.memory_space<hbm>>, %arg3: memref<10240x128xf32, #tpu.memory_space<hbm>>, %arg4: memref<10240x128xf32, #tpu.memory_space<hbm>>, %arg5: memref<4x80xi32, #tpu.memory_space<vmem>>, %arg6: memref<320x128xf32, #tpu.memory_space<vmem>>, %arg7: memref<!tpu.dma_semaphore, #tpu.memory_space<semaphore_mem>>) attributes {dimension_semantics = [#tpu.dimension_semantics<core_parallel>, #tpu.dimension_semantics<subcore_parallel>], iteration_bounds = array<i64: 2, 16>, scalar_prefetch = 0 : i64, scratch_operands = 3 : i64, tpu.core_type = #tpu.core_type<sc_vector_subcore>, window_params = [{transform_indices = #map}, {transform_indices = #map1}, {transform_indices = #map1}]} {
    %mul3A = arith.constant 2 : i32
    %mul3A_0 = arith.muli %arg1, %mul3A : i32
    %add3A = arith.addi %mul3A_0, %arg0 : i32
    %mul3A_1 = arith.constant 320 : i32
    %mul3A_2 = arith.muli %add3A, %mul3A_1 : i32
    %add3A_3 = arith.constant 0 : i32
    %add3A_4 = arith.addi %mul3A_2, %add3A_3 : i32
    %run_scoped3A = arith.constant 0 : i32
    "tpu.region"() ({
      %run_scoped3A_92 = tpu.sem_alloc : memref<!tpu.dma_semaphore, #tpu.memory_space<semaphore_mem>>
      %dma_start3A_93 = arith.constant 0 : i32
      %dma_start3A_94 = tpu.memref_slice %arg5[%run_scoped3A, %dma_start3A_93] : memref<4x80xi32, #tpu.memory_space<vmem>> -> memref<1x80xi32, #tpu.memory_space<vmem>>
      %dma_start3A_95 = tpu.memref_squeeze %dma_start3A_94 : memref<1x80xi32, #tpu.memory_space<vmem>> -> memref<80xi32, #tpu.memory_space<vmem>>
      %dma_start3A_96 = tpu.memref_slice %arg2[%add3A_4] : memref<10240xi32, #tpu.memory_space<hbm>> -> memref<80xi32, #tpu.memory_space<hbm>>
      %dma_start3A_97 = arith.constant 0 : i32
      %dma_start3A_98 = tpu.memref_slice %arg5[%run_scoped3A, %dma_start3A_97] : memref<4x80xi32, #tpu.memory_space<vmem>> -> memref<1x80xi32, #tpu.memory_space<vmem>>
      %dma_start3A_99 = tpu.memref_squeeze %dma_start3A_98 : memref<1x80xi32, #tpu.memory_space<vmem>> -> memref<80xi32, #tpu.memory_space<vmem>>
      %dma_start3A_100 = tpu.memref_slice %arg2[%add3A_4] : memref<10240xi32, #tpu.memory_space<hbm>> -> memref<80xi32, #tpu.memory_space<hbm>>
      tpu.enqueue_dma source(%dma_start3A_100 : memref<80xi32, #tpu.memory_space<hbm>>) target(%dma_start3A_99 : memref<80xi32, #tpu.memory_space<vmem>>) target_semaphore(%run_scoped3A_92 : memref<!tpu.dma_semaphore, #tpu.memory_space<semaphore_mem>>)
      %dma_wait3A_101 = arith.constant 0 : i32
      %dma_wait3A_102 = tpu.memref_slice %arg5[%run_scoped3A, %dma_wait3A_101] : memref<4x80xi32, #tpu.memory_space<vmem>> -> memref<1x80xi32, #tpu.memory_space<vmem>>
      %dma_wait3A_103 = tpu.memref_squeeze %dma_wait3A_102 : memref<1x80xi32, #tpu.memory_space<vmem>> -> memref<80xi32, #tpu.memory_space<vmem>>
      %dma_wait3A_104 = tpu.memref_slice %arg2[%add3A_4] : memref<10240xi32, #tpu.memory_space<hbm>> -> memref<80xi32, #tpu.memory_space<hbm>>
      %dma_wait3A_105 = arith.constant 0 : i32
      %dma_wait3A_106 = tpu.memref_slice %arg5[%run_scoped3A, %dma_wait3A_105] : memref<4x80xi32, #tpu.memory_space<vmem>> -> memref<1x80xi32, #tpu.memory_space<vmem>>
      %dma_wait3A_107 = tpu.memref_squeeze %dma_wait3A_106 : memref<1x80xi32, #tpu.memory_space<vmem>> -> memref<80xi32, #tpu.memory_space<vmem>>
      %dma_wait3A_108 = tpu.memref_slice %arg2[%add3A_4] : memref<10240xi32, #tpu.memory_space<hbm>> -> memref<80xi32, #tpu.memory_space<hbm>>
      tpu.wait_dma2 semaphore(%run_scoped3A_92 : memref<!tpu.dma_semaphore, #tpu.memory_space<semaphore_mem>>) src(%dma_wait3A_108 : memref<80xi32, #tpu.memory_space<hbm>>) dst(%dma_wait3A_107 : memref<80xi32, #tpu.memory_space<vmem>>)
      tpu.yield
    }) : () -> ()
    %add3A_5 = arith.constant 80 : i32
    %add3A_6 = arith.addi %mul3A_2, %add3A_5 : i32
    %run_scoped3A_7 = arith.constant 1 : i32
    "tpu.region"() ({
      %run_scoped3A_92 = tpu.sem_alloc : memref<!tpu.dma_semaphore, #tpu.memory_space<semaphore_mem>>
      %dma_start3A_93 = arith.constant 0 : i32
      %dma_start3A_94 = tpu.memref_slice %arg5[%run_scoped3A_7, %dma_start3A_93] : memref<4x80xi32, #tpu.memory_space<vmem>> -> memref<1x80xi32, #tpu.memory_space<vmem>>
      %dma_start3A_95 = tpu.memref_squeeze %dma_start3A_94 : memref<1x80xi32, #tpu.memory_space<vmem>> -> memref<80xi32, #tpu.memory_space<vmem>>
      %dma_start3A_96 = tpu.memref_slice %arg2[%add3A_6] : memref<10240xi32, #tpu.memory_space<hbm>> -> memref<80xi32, #tpu.memory_space<hbm>>
      %dma_start3A_97 = arith.constant 0 : i32
      %dma_start3A_98 = tpu.memref_slice %arg5[%run_scoped3A_7, %dma_start3A_97] : memref<4x80xi32, #tpu.memory_space<vmem>> -> memref<1x80xi32, #tpu.memory_space<vmem>>
      %dma_start3A_99 = tpu.memref_squeeze %dma_start3A_98 : memref<1x80xi32, #tpu.memory_space<vmem>> -> memref<80xi32, #tpu.memory_space<vmem>>
      %dma_start3A_100 = tpu.memref_slice %arg2[%add3A_6] : memref<10240xi32, #tpu.memory_space<hbm>> -> memref<80xi32, #tpu.memory_space<hbm>>
      tpu.enqueue_dma source(%dma_start3A_100 : memref<80xi32, #tpu.memory_space<hbm>>) target(%dma_start3A_99 : memref<80xi32, #tpu.memory_space<vmem>>) target_semaphore(%run_scoped3A_92 : memref<!tpu.dma_semaphore, #tpu.memory_space<semaphore_mem>>)
      %dma_wait3A_101 = arith.constant 0 : i32
      %dma_wait3A_102 = tpu.memref_slice %arg5[%run_scoped3A_7, %dma_wait3A_101] : memref<4x80xi32, #tpu.memory_space<vmem>> -> memref<1x80xi32, #tpu.memory_space<vmem>>
      %dma_wait3A_103 = tpu.memref_squeeze %dma_wait3A_102 : memref<1x80xi32, #tpu.memory_space<vmem>> -> memref<80xi32, #tpu.memory_space<vmem>>
      %dma_wait3A_104 = tpu.memref_slice %arg2[%add3A_6] : memref<10240xi32, #tpu.memory_space<hbm>> -> memref<80xi32, #tpu.memory_space<hbm>>
      %dma_wait3A_105 = arith.constant 0 : i32
      %dma_wait3A_106 = tpu.memref_slice %arg5[%run_scoped3A_7, %dma_wait3A_105] : memref<4x80xi32, #tpu.memory_space<vmem>> -> memref<1x80xi32, #tpu.memory_space<vmem>>
      %dma_wait3A_107 = tpu.memref_squeeze %dma_wait3A_106 : memref<1x80xi32, #tpu.memory_space<vmem>> -> memref<80xi32, #tpu.memory_space<vmem>>
      %dma_wait3A_108 = tpu.memref_slice %arg2[%add3A_6] : memref<10240xi32, #tpu.memory_space<hbm>> -> memref<80xi32, #tpu.memory_space<hbm>>
      tpu.wait_dma2 semaphore(%run_scoped3A_92 : memref<!tpu.dma_semaphore, #tpu.memory_space<semaphore_mem>>) src(%dma_wait3A_108 : memref<80xi32, #tpu.memory_space<hbm>>) dst(%dma_wait3A_107 : memref<80xi32, #tpu.memory_space<vmem>>)
      tpu.yield
    }) : () -> ()
    %add3A_8 = arith.constant 160 : i32
    %add3A_9 = arith.addi %mul3A_2, %add3A_8 : i32
    %run_scoped3A_10 = arith.constant 2 : i32
    "tpu.region"() ({
      %run_scoped3A_92 = tpu.sem_alloc : memref<!tpu.dma_semaphore, #tpu.memory_space<semaphore_mem>>
      %dma_start3A_93 = arith.constant 0 : i32
      %dma_start3A_94 = tpu.memref_slice %arg5[%run_scoped3A_10, %dma_start3A_93] : memref<4x80xi32, #tpu.memory_space<vmem>> -> memref<1x80xi32, #tpu.memory_space<vmem>>
      %dma_start3A_95 = tpu.memref_squeeze %dma_start3A_94 : memref<1x80xi32, #tpu.memory_space<vmem>> -> memref<80xi32, #tpu.memory_space<vmem>>
      %dma_start3A_96 = tpu.memref_slice %arg2[%add3A_9] : memref<10240xi32, #tpu.memory_space<hbm>> -> memref<80xi32, #tpu.memory_space<hbm>>
      %dma_start3A_97 = arith.constant 0 : i32
      %dma_start3A_98 = tpu.memref_slice %arg5[%run_scoped3A_10, %dma_start3A_97] : memref<4x80xi32, #tpu.memory_space<vmem>> -> memref<1x80xi32, #tpu.memory_space<vmem>>
      %dma_start3A_99 = tpu.memref_squeeze %dma_start3A_98 : memref<1x80xi32, #tpu.memory_space<vmem>> -> memref<80xi32, #tpu.memory_space<vmem>>
      %dma_start3A_100 = tpu.memref_slice %arg2[%add3A_9] : memref<10240xi32, #tpu.memory_space<hbm>> -> memref<80xi32, #tpu.memory_space<hbm>>
      tpu.enqueue_dma source(%dma_start3A_100 : memref<80xi32, #tpu.memory_space<hbm>>) target(%dma_start3A_99 : memref<80xi32, #tpu.memory_space<vmem>>) target_semaphore(%run_scoped3A_92 : memref<!tpu.dma_semaphore, #tpu.memory_space<semaphore_mem>>)
      %dma_wait3A_101 = arith.constant 0 : i32
      %dma_wait3A_102 = tpu.memref_slice %arg5[%run_scoped3A_10, %dma_wait3A_101] : memref<4x80xi32, #tpu.memory_space<vmem>> -> memref<1x80xi32, #tpu.memory_space<vmem>>
      %dma_wait3A_103 = tpu.memref_squeeze %dma_wait3A_102 : memref<1x80xi32, #tpu.memory_space<vmem>> -> memref<80xi32, #tpu.memory_space<vmem>>
      %dma_wait3A_104 = tpu.memref_slice %arg2[%add3A_9] : memref<10240xi32, #tpu.memory_space<hbm>> -> memref<80xi32, #tpu.memory_space<hbm>>
      %dma_wait3A_105 = arith.constant 0 : i32
      %dma_wait3A_106 = tpu.memref_slice %arg5[%run_scoped3A_10, %dma_wait3A_105] : memref<4x80xi32, #tpu.memory_space<vmem>> -> memref<1x80xi32, #tpu.memory_space<vmem>>
      %dma_wait3A_107 = tpu.memref_squeeze %dma_wait3A_106 : memref<1x80xi32, #tpu.memory_space<vmem>> -> memref<80xi32, #tpu.memory_space<vmem>>
      %dma_wait3A_108 = tpu.memref_slice %arg2[%add3A_9] : memref<10240xi32, #tpu.memory_space<hbm>> -> memref<80xi32, #tpu.memory_space<hbm>>
      tpu.wait_dma2 semaphore(%run_scoped3A_92 : memref<!tpu.dma_semaphore, #tpu.memory_space<semaphore_mem>>) src(%dma_wait3A_108 : memref<80xi32, #tpu.memory_space<hbm>>) dst(%dma_wait3A_107 : memref<80xi32, #tpu.memory_space<vmem>>)
      tpu.yield
    }) : () -> ()
    %add3A_11 = arith.constant 240 : i32
    %add3A_12 = arith.addi %mul3A_2, %add3A_11 : i32
    %run_scoped3A_13 = arith.constant 3 : i32
    "tpu.region"() ({
      %run_scoped3A_92 = tpu.sem_alloc : memref<!tpu.dma_semaphore, #tpu.memory_space<semaphore_mem>>
      %dma_start3A_93 = arith.constant 0 : i32
      %dma_start3A_94 = tpu.memref_slice %arg5[%run_scoped3A_13, %dma_start3A_93] : memref<4x80xi32, #tpu.memory_space<vmem>> -> memref<1x80xi32, #tpu.memory_space<vmem>>
      %dma_start3A_95 = tpu.memref_squeeze %dma_start3A_94 : memref<1x80xi32, #tpu.memory_space<vmem>> -> memref<80xi32, #tpu.memory_space<vmem>>
      %dma_start3A_96 = tpu.memref_slice %arg2[%add3A_12] : memref<10240xi32, #tpu.memory_space<hbm>> -> memref<80xi32, #tpu.memory_space<hbm>>
      %dma_start3A_97 = arith.constant 0 : i32
      %dma_start3A_98 = tpu.memref_slice %arg5[%run_scoped3A_13, %dma_start3A_97] : memref<4x80xi32, #tpu.memory_space<vmem>> -> memref<1x80xi32, #tpu.memory_space<vmem>>
      %dma_start3A_99 = tpu.memref_squeeze %dma_start3A_98 : memref<1x80xi32, #tpu.memory_space<vmem>> -> memref<80xi32, #tpu.memory_space<vmem>>
      %dma_start3A_100 = tpu.memref_slice %arg2[%add3A_12] : memref<10240xi32, #tpu.memory_space<hbm>> -> memref<80xi32, #tpu.memory_space<hbm>>
      tpu.enqueue_dma source(%dma_start3A_100 : memref<80xi32, #tpu.memory_space<hbm>>) target(%dma_start3A_99 : memref<80xi32, #tpu.memory_space<vmem>>) target_semaphore(%run_scoped3A_92 : memref<!tpu.dma_semaphore, #tpu.memory_space<semaphore_mem>>)
      %dma_wait3A_101 = arith.constant 0 : i32
      %dma_wait3A_102 = tpu.memref_slice %arg5[%run_scoped3A_13, %dma_wait3A_101] : memref<4x80xi32, #tpu.memory_space<vmem>> -> memref<1x80xi32, #tpu.memory_space<vmem>>
      %dma_wait3A_103 = tpu.memref_squeeze %dma_wait3A_102 : memref<1x80xi32, #tpu.memory_space<vmem>> -> memref<80xi32, #tpu.memory_space<vmem>>
      %dma_wait3A_104 = tpu.memref_slice %arg2[%add3A_12] : memref<10240xi32, #tpu.memory_space<hbm>> -> memref<80xi32, #tpu.memory_space<hbm>>
      %dma_wait3A_105 = arith.constant 0 : i32
      %dma_wait3A_106 = tpu.memref_slice %arg5[%run_scoped3A_13, %dma_wait3A_105] : memref<4x80xi32, #tpu.memory_space<vmem>> -> memref<1x80xi32, #tpu.memory_space<vmem>>
      %dma_wait3A_107 = tpu.memref_squeeze %dma_wait3A_106 : memref<1x80xi32, #tpu.memory_space<vmem>> -> memref<80xi32, #tpu.memory_space<vmem>>
      %dma_wait3A_108 = tpu.memref_slice %arg2[%add3A_12] : memref<10240xi32, #tpu.memory_space<hbm>> -> memref<80xi32, #tpu.memory_space<hbm>>
      tpu.wait_dma2 semaphore(%run_scoped3A_92 : memref<!tpu.dma_semaphore, #tpu.memory_space<semaphore_mem>>) src(%dma_wait3A_108 : memref<80xi32, #tpu.memory_space<hbm>>) dst(%dma_wait3A_107 : memref<80xi32, #tpu.memory_space<vmem>>)
      tpu.yield
    }) : () -> ()
    "tpu.region"() ({
      %run_scoped3A_92 = tpu.sem_alloc : memref<!tpu.dma_semaphore, #tpu.memory_space<semaphore_mem>>
      %dma_start3A_93 = arith.constant 0 : i32
      %dma_start3A_94 = tpu.memref_slice %arg3[%mul3A_2, %dma_start3A_93] : memref<10240x128xf32, #tpu.memory_space<hbm>> -> memref<320x128xf32, #tpu.memory_space<hbm>>
      %dma_start3A_95 = arith.constant 0 : i32
      %dma_start3A_96 = tpu.memref_slice %arg3[%mul3A_2, %dma_start3A_95] : memref<10240x128xf32, #tpu.memory_space<hbm>> -> memref<320x128xf32, #tpu.memory_space<hbm>>
      tpu.enqueue_dma source(%dma_start3A_96 : memref<320x128xf32, #tpu.memory_space<hbm>>) target(%arg6 : memref<320x128xf32, #tpu.memory_space<vmem>>) target_semaphore(%run_scoped3A_92 : memref<!tpu.dma_semaphore, #tpu.memory_space<semaphore_mem>>)
      %dma_wait3A_97 = arith.constant 0 : i32
      %dma_wait3A_98 = tpu.memref_slice %arg3[%mul3A_2, %dma_wait3A_97] : memref<10240x128xf32, #tpu.memory_space<hbm>> -> memref<320x128xf32, #tpu.memory_space<hbm>>
      %dma_wait3A_99 = arith.constant 0 : i32
      %dma_wait3A_100 = tpu.memref_slice %arg3[%mul3A_2, %dma_wait3A_99] : memref<10240x128xf32, #tpu.memory_space<hbm>> -> memref<320x128xf32, #tpu.memory_space<hbm>>
      tpu.wait_dma2 semaphore(%run_scoped3A_92 : memref<!tpu.dma_semaphore, #tpu.memory_space<semaphore_mem>>) src(%dma_wait3A_100 : memref<320x128xf32, #tpu.memory_space<hbm>>) dst(%arg6 : memref<320x128xf32, #tpu.memory_space<vmem>>)
      tpu.yield
    }) : () -> ()
    %dma_start3A = arith.constant 0 : i32
    %dma_start3A_14 = arith.constant 0 : i32
    %dma_start3A_15 = arith.constant 0 : i32
    %dma_start3A_16 = tpu.memref_slice %arg6[%dma_start3A_14, %dma_start3A_15] : memref<320x128xf32, #tpu.memory_space<vmem>> -> memref<80x128xf32, #tpu.memory_space<vmem>>
    %dma_start3A_17 = arith.constant 0 : i32
    %dma_start3A_18 = tpu.memref_slice %arg5[%dma_start3A, %dma_start3A_17] : memref<4x80xi32, #tpu.memory_space<vmem>> -> memref<1x80xi32, #tpu.memory_space<vmem>>
    %dma_start3A_19 = tpu.memref_squeeze %dma_start3A_18 : memref<1x80xi32, #tpu.memory_space<vmem>> -> memref<80xi32, #tpu.memory_space<vmem>>
    %dma_start3A_20 = arith.constant 0 : i32
    %dma_start3A_21 = arith.constant 0 : i32
    %dma_start3A_22 = tpu.memref_slice %arg4[%dma_start3A_20, %dma_start3A_21] : memref<10240x128xf32, #tpu.memory_space<hbm>> -> memref<10240x128xf32, #tpu.memory_space<hbm>>
    tpu.enqueue_indirect_dma source(%dma_start3A_16 : memref<80x128xf32, #tpu.memory_space<vmem>>) target(%dma_start3A_22 : memref<10240x128xf32, #tpu.memory_space<hbm>>) offsets(%dma_start3A_19 : memref<80xi32, #tpu.memory_space<vmem>>) semaphore(%arg7 : memref<!tpu.dma_semaphore, #tpu.memory_space<semaphore_mem>>)
    %dma_start3A_23 = arith.constant 1 : i32
    %dma_start3A_24 = arith.constant 80 : i32
    %dma_start3A_25 = arith.constant 0 : i32
    %dma_start3A_26 = tpu.memref_slice %arg6[%dma_start3A_24, %dma_start3A_25] : memref<320x128xf32, #tpu.memory_space<vmem>> -> memref<80x128xf32, #tpu.memory_space<vmem>>
    %dma_start3A_27 = arith.constant 0 : i32
    %dma_start3A_28 = tpu.memref_slice %arg5[%dma_start3A_23, %dma_start3A_27] : memref<4x80xi32, #tpu.memory_space<vmem>> -> memref<1x80xi32, #tpu.memory_space<vmem>>
    %dma_start3A_29 = tpu.memref_squeeze %dma_start3A_28 : memref<1x80xi32, #tpu.memory_space<vmem>> -> memref<80xi32, #tpu.memory_space<vmem>>
    %dma_start3A_30 = arith.constant 0 : i32
    %dma_start3A_31 = arith.constant 0 : i32
    %dma_start3A_32 = tpu.memref_slice %arg4[%dma_start3A_30, %dma_start3A_31] : memref<10240x128xf32, #tpu.memory_space<hbm>> -> memref<10240x128xf32, #tpu.memory_space<hbm>>
    tpu.enqueue_indirect_dma source(%dma_start3A_26 : memref<80x128xf32, #tpu.memory_space<vmem>>) target(%dma_start3A_32 : memref<10240x128xf32, #tpu.memory_space<hbm>>) offsets(%dma_start3A_29 : memref<80xi32, #tpu.memory_space<vmem>>) semaphore(%arg7 : memref<!tpu.dma_semaphore, #tpu.memory_space<semaphore_mem>>)
    %dma_start3A_33 = arith.constant 2 : i32
    %dma_start3A_34 = arith.constant 160 : i32
    %dma_start3A_35 = arith.constant 0 : i32
    %dma_start3A_36 = tpu.memref_slice %arg6[%dma_start3A_34, %dma_start3A_35] : memref<320x128xf32, #tpu.memory_space<vmem>> -> memref<80x128xf32, #tpu.memory_space<vmem>>
    %dma_start3A_37 = arith.constant 0 : i32
    %dma_start3A_38 = tpu.memref_slice %arg5[%dma_start3A_33, %dma_start3A_37] : memref<4x80xi32, #tpu.memory_space<vmem>> -> memref<1x80xi32, #tpu.memory_space<vmem>>
    %dma_start3A_39 = tpu.memref_squeeze %dma_start3A_38 : memref<1x80xi32, #tpu.memory_space<vmem>> -> memref<80xi32, #tpu.memory_space<vmem>>
    %dma_start3A_40 = arith.constant 0 : i32
    %dma_start3A_41 = arith.constant 0 : i32
    %dma_start3A_42 = tpu.memref_slice %arg4[%dma_start3A_40, %dma_start3A_41] : memref<10240x128xf32, #tpu.memory_space<hbm>> -> memref<10240x128xf32, #tpu.memory_space<hbm>>
    tpu.enqueue_indirect_dma source(%dma_start3A_36 : memref<80x128xf32, #tpu.memory_space<vmem>>) target(%dma_start3A_42 : memref<10240x128xf32, #tpu.memory_space<hbm>>) offsets(%dma_start3A_39 : memref<80xi32, #tpu.memory_space<vmem>>) semaphore(%arg7 : memref<!tpu.dma_semaphore, #tpu.memory_space<semaphore_mem>>)
    %dma_start3A_43 = arith.constant 3 : i32
    %dma_start3A_44 = arith.constant 240 : i32
    %dma_start3A_45 = arith.constant 0 : i32
    %dma_start3A_46 = tpu.memref_slice %arg6[%dma_start3A_44, %dma_start3A_45] : memref<320x128xf32, #tpu.memory_space<vmem>> -> memref<80x128xf32, #tpu.memory_space<vmem>>
    %dma_start3A_47 = arith.constant 0 : i32
    %dma_start3A_48 = tpu.memref_slice %arg5[%dma_start3A_43, %dma_start3A_47] : memref<4x80xi32, #tpu.memory_space<vmem>> -> memref<1x80xi32, #tpu.memory_space<vmem>>
    %dma_start3A_49 = tpu.memref_squeeze %dma_start3A_48 : memref<1x80xi32, #tpu.memory_space<vmem>> -> memref<80xi32, #tpu.memory_space<vmem>>
    %dma_start3A_50 = arith.constant 0 : i32
    %dma_start3A_51 = arith.constant 0 : i32
    %dma_start3A_52 = tpu.memref_slice %arg4[%dma_start3A_50, %dma_start3A_51] : memref<10240x128xf32, #tpu.memory_space<hbm>> -> memref<10240x128xf32, #tpu.memory_space<hbm>>
    tpu.enqueue_indirect_dma source(%dma_start3A_46 : memref<80x128xf32, #tpu.memory_space<vmem>>) target(%dma_start3A_52 : memref<10240x128xf32, #tpu.memory_space<hbm>>) offsets(%dma_start3A_49 : memref<80xi32, #tpu.memory_space<vmem>>) semaphore(%arg7 : memref<!tpu.dma_semaphore, #tpu.memory_space<semaphore_mem>>)
    %dma_wait3A = arith.constant 0 : i32
    %dma_wait3A_53 = arith.constant 0 : i32
    %dma_wait3A_54 = arith.constant 0 : i32
    %dma_wait3A_55 = tpu.memref_slice %arg6[%dma_wait3A_53, %dma_wait3A_54] : memref<320x128xf32, #tpu.memory_space<vmem>> -> memref<80x128xf32, #tpu.memory_space<vmem>>
    %dma_wait3A_56 = arith.constant 0 : i32
    %dma_wait3A_57 = tpu.memref_slice %arg5[%dma_wait3A, %dma_wait3A_56] : memref<4x80xi32, #tpu.memory_space<vmem>> -> memref<1x80xi32, #tpu.memory_space<vmem>>
    %dma_wait3A_58 = tpu.memref_squeeze %dma_wait3A_57 : memref<1x80xi32, #tpu.memory_space<vmem>> -> memref<80xi32, #tpu.memory_space<vmem>>
    %dma_wait3A_59 = arith.constant 0 : i32
    %dma_wait3A_60 = arith.constant 0 : i32
    %dma_wait3A_61 = tpu.memref_slice %arg4[%dma_wait3A_59, %dma_wait3A_60] : memref<10240x128xf32, #tpu.memory_space<hbm>> -> memref<10240x128xf32, #tpu.memory_space<hbm>>
    tpu.wait_indirect_dma semaphore(%arg7 : memref<!tpu.dma_semaphore, #tpu.memory_space<semaphore_mem>>) src(%dma_wait3A_55 : memref<80x128xf32, #tpu.memory_space<vmem>>) dst(%dma_wait3A_61 : memref<10240x128xf32, #tpu.memory_space<hbm>>)
    %dma_wait3A_62 = arith.constant 1 : i32
    %dma_wait3A_63 = arith.constant 80 : i32
    %dma_wait3A_64 = arith.constant 0 : i32
    %dma_wait3A_65 = tpu.memref_slice %arg6[%dma_wait3A_63, %dma_wait3A_64] : memref<320x128xf32, #tpu.memory_space<vmem>> -> memref<80x128xf32, #tpu.memory_space<vmem>>
    %dma_wait3A_66 = arith.constant 0 : i32
    %dma_wait3A_67 = tpu.memref_slice %arg5[%dma_wait3A_62, %dma_wait3A_66] : memref<4x80xi32, #tpu.memory_space<vmem>> -> memref<1x80xi32, #tpu.memory_space<vmem>>
    %dma_wait3A_68 = tpu.memref_squeeze %dma_wait3A_67 : memref<1x80xi32, #tpu.memory_space<vmem>> -> memref<80xi32, #tpu.memory_space<vmem>>
    %dma_wait3A_69 = arith.constant 0 : i32
    %dma_wait3A_70 = arith.constant 0 : i32
    %dma_wait3A_71 = tpu.memref_slice %arg4[%dma_wait3A_69, %dma_wait3A_70] : memref<10240x128xf32, #tpu.memory_space<hbm>> -> memref<10240x128xf32, #tpu.memory_space<hbm>>
    tpu.wait_indirect_dma semaphore(%arg7 : memref<!tpu.dma_semaphore, #tpu.memory_space<semaphore_mem>>) src(%dma_wait3A_65 : memref<80x128xf32, #tpu.memory_space<vmem>>) dst(%dma_wait3A_71 : memref<10240x128xf32, #tpu.memory_space<hbm>>)
    %dma_wait3A_72 = arith.constant 2 : i32
    %dma_wait3A_73 = arith.constant 160 : i32
    %dma_wait3A_74 = arith.constant 0 : i32
    %dma_wait3A_75 = tpu.memref_slice %arg6[%dma_wait3A_73, %dma_wait3A_74] : memref<320x128xf32, #tpu.memory_space<vmem>> -> memref<80x128xf32, #tpu.memory_space<vmem>>
    %dma_wait3A_76 = arith.constant 0 : i32
    %dma_wait3A_77 = tpu.memref_slice %arg5[%dma_wait3A_72, %dma_wait3A_76] : memref<4x80xi32, #tpu.memory_space<vmem>> -> memref<1x80xi32, #tpu.memory_space<vmem>>
    %dma_wait3A_78 = tpu.memref_squeeze %dma_wait3A_77 : memref<1x80xi32, #tpu.memory_space<vmem>> -> memref<80xi32, #tpu.memory_space<vmem>>
    %dma_wait3A_79 = arith.constant 0 : i32
    %dma_wait3A_80 = arith.constant 0 : i32
    %dma_wait3A_81 = tpu.memref_slice %arg4[%dma_wait3A_79, %dma_wait3A_80] : memref<10240x128xf32, #tpu.memory_space<hbm>> -> memref<10240x128xf32, #tpu.memory_space<hbm>>
    tpu.wait_indirect_dma semaphore(%arg7 : memref<!tpu.dma_semaphore, #tpu.memory_space<semaphore_mem>>) src(%dma_wait3A_75 : memref<80x128xf32, #tpu.memory_space<vmem>>) dst(%dma_wait3A_81 : memref<10240x128xf32, #tpu.memory_space<hbm>>)
    %dma_wait3A_82 = arith.constant 3 : i32
    %dma_wait3A_83 = arith.constant 240 : i32
    %dma_wait3A_84 = arith.constant 0 : i32
    %dma_wait3A_85 = tpu.memref_slice %arg6[%dma_wait3A_83, %dma_wait3A_84] : memref<320x128xf32, #tpu.memory_space<vmem>> -> memref<80x128xf32, #tpu.memory_space<vmem>>
    %dma_wait3A_86 = arith.constant 0 : i32
    %dma_wait3A_87 = tpu.memref_slice %arg5[%dma_wait3A_82, %dma_wait3A_86] : memref<4x80xi32, #tpu.memory_space<vmem>> -> memref<1x80xi32, #tpu.memory_space<vmem>>
    %dma_wait3A_88 = tpu.memref_squeeze %dma_wait3A_87 : memref<1x80xi32, #tpu.memory_space<vmem>> -> memref<80xi32, #tpu.memory_space<vmem>>
    %dma_wait3A_89 = arith.constant 0 : i32
    %dma_wait3A_90 = arith.constant 0 : i32
    %dma_wait3A_91 = tpu.memref_slice %arg4[%dma_wait3A_89, %dma_wait3A_90] : memref<10240x128xf32, #tpu.memory_space<hbm>> -> memref<10240x128xf32, #tpu.memory_space<hbm>>
    tpu.wait_indirect_dma semaphore(%arg7 : memref<!tpu.dma_semaphore, #tpu.memory_space<semaphore_mem>>) src(%dma_wait3A_85 : memref<80x128xf32, #tpu.memory_space<vmem>>) dst(%dma_wait3A_91 : memref<10240x128xf32, #tpu.memory_space<hbm>>)
    return
  }
}

#map = affine_map<(d0, d1) -> (0)>
#map1 = affine_map<(d0, d1) -> (0, 0)>
module attributes {stable_mosaic.version = 14 : i64} {
  func.func @scat(%arg0: i32, %arg1: i32, %arg2: memref<10240xi32, #tpu.memory_space<hbm>>, %arg3: memref<10240x128xf32, #tpu.memory_space<hbm>>, %arg4: memref<10240x128xf32, #tpu.memory_space<hbm>>, %arg5: memref<4x80xi32, #tpu.memory_space<vmem>>, %arg6: memref<320x128xf32, #tpu.memory_space<vmem>>, %arg7: memref<!tpu.dma_semaphore, #tpu.memory_space<semaphore_mem>>) attributes {dimension_semantics = [#tpu.dimension_semantics<core_parallel>, #tpu.dimension_semantics<subcore_parallel>], iteration_bounds = array<i64: 2, 16>, scalar_prefetch = 0 : i64, scratch_operands = 3 : i64, tpu.core_type = #tpu.core_type<sc_vector_subcore>, window_params = [{transform_indices = #map}, {transform_indices = #map1}, {transform_indices = #map1}]} {
    %mul3A = arith.constant 2 : i32
    %mul3A_0 = arith.muli %arg1, %mul3A : i32
    %add3A = arith.addi %mul3A_0, %arg0 : i32
    %mul3A_1 = arith.constant 320 : i32
    %mul3A_2 = arith.muli %add3A, %mul3A_1 : i32
    %add3A_3 = arith.constant 0 : i32
    %add3A_4 = arith.addi %mul3A_2, %add3A_3 : i32
    %run_scoped3A = arith.constant 0 : i32
    "tpu.region"() ({
      %run_scoped3A_92 = tpu.sem_alloc : memref<!tpu.dma_semaphore, #tpu.memory_space<semaphore_mem>>
      %dma_start3A_93 = arith.constant 0 : i32
      %dma_start3A_94 = tpu.memref_slice %arg5[%run_scoped3A, %dma_start3A_93] : memref<4x80xi32, #tpu.memory_space<vmem>> -> memref<1x80xi32, #tpu.memory_space<vmem>>
      %dma_start3A_95 = tpu.memref_squeeze %dma_start3A_94 : memref<1x80xi32, #tpu.memory_space<vmem>> -> memref<80xi32, #tpu.memory_space<vmem>>
      %dma_start3A_96 = tpu.memref_slice %arg2[%add3A_4] : memref<10240xi32, #tpu.memory_space<hbm>> -> memref<80xi32, #tpu.memory_space<hbm>>
      %dma_start3A_97 = arith.constant 0 : i32
      %dma_start3A_98 = tpu.memref_slice %arg5[%run_scoped3A, %dma_start3A_97] : memref<4x80xi32, #tpu.memory_space<vmem>> -> memref<1x80xi32, #tpu.memory_space<vmem>>
      %dma_start3A_99 = tpu.memref_squeeze %dma_start3A_98 : memref<1x80xi32, #tpu.memory_space<vmem>> -> memref<80xi32, #tpu.memory_space<vmem>>
      %dma_start3A_100 = tpu.memref_slice %arg2[%add3A_4] : memref<10240xi32, #tpu.memory_space<hbm>> -> memref<80xi32, #tpu.memory_space<hbm>>
      tpu.enqueue_dma source(%dma_start3A_100 : memref<80xi32, #tpu.memory_space<hbm>>) target(%dma_start3A_99 : memref<80xi32, #tpu.memory_space<vmem>>) target_semaphore(%run_scoped3A_92 : memref<!tpu.dma_semaphore, #tpu.memory_space<semaphore_mem>>)
      %dma_wait3A_101 = arith.constant 0 : i32
      %dma_wait3A_102 = tpu.memref_slice %arg5[%run_scoped3A, %dma_wait3A_101] : memref<4x80xi32, #tpu.memory_space<vmem>> -> memref<1x80xi32, #tpu.memory_space<vmem>>
      %dma_wait3A_103 = tpu.memref_squeeze %dma_wait3A_102 : memref<1x80xi32, #tpu.memory_space<vmem>> -> memref<80xi32, #tpu.memory_space<vmem>>
      %dma_wait3A_104 = tpu.memref_slice %arg2[%add3A_4] : memref<10240xi32, #tpu.memory_space<hbm>> -> memref<80xi32, #tpu.memory_space<hbm>>
      %dma_wait3A_105 = arith.constant 0 : i32
      %dma_wait3A_106 = tpu.memref_slice %arg5[%run_scoped3A, %dma_wait3A_105] : memref<4x80xi32, #tpu.memory_space<vmem>> -> memref<1x80xi32, #tpu.memory_space<vmem>>
      %dma_wait3A_107 = tpu.memref_squeeze %dma_wait3A_106 : memref<1x80xi32, #tpu.memory_space<vmem>> -> memref<80xi32, #tpu.memory_space<vmem>>
      %dma_wait3A_108 = tpu.memref_slice %arg2[%add3A_4] : memref<10240xi32, #tpu.memory_space<hbm>> -> memref<80xi32, #tpu.memory_space<hbm>>
      tpu.wait_dma2 semaphore(%run_scoped3A_92 : memref<!tpu.dma_semaphore, #tpu.memory_space<semaphore_mem>>) src(%dma_wait3A_108 : memref<80xi32, #tpu.memory_space<hbm>>) dst(%dma_wait3A_107 : memref<80xi32, #tpu.memory_space<vmem>>)
      tpu.yield
    }) : () -> ()
    %add3A_5 = arith.constant 80 : i32
    %add3A_6 = arith.addi %mul3A_2, %add3A_5 : i32
    %run_scoped3A_7 = arith.constant 1 : i32
    "tpu.region"() ({
      %run_scoped3A_92 = tpu.sem_alloc : memref<!tpu.dma_semaphore, #tpu.memory_space<semaphore_mem>>
      %dma_start3A_93 = arith.constant 0 : i32
      %dma_start3A_94 = tpu.memref_slice %arg5[%run_scoped3A_7, %dma_start3A_93] : memref<4x80xi32, #tpu.memory_space<vmem>> -> memref<1x80xi32, #tpu.memory_space<vmem>>
      %dma_start3A_95 = tpu.memref_squeeze %dma_start3A_94 : memref<1x80xi32, #tpu.memory_space<vmem>> -> memref<80xi32, #tpu.memory_space<vmem>>
      %dma_start3A_96 = tpu.memref_slice %arg2[%add3A_6] : memref<10240xi32, #tpu.memory_space<hbm>> -> memref<80xi32, #tpu.memory_space<hbm>>
      %dma_start3A_97 = arith.constant 0 : i32
      %dma_start3A_98 = tpu.memref_slice %arg5[%run_scoped3A_7, %dma_start3A_97] : memref<4x80xi32, #tpu.memory_space<vmem>> -> memref<1x80xi32, #tpu.memory_space<vmem>>
      %dma_start3A_99 = tpu.memref_squeeze %dma_start3A_98 : memref<1x80xi32, #tpu.memory_space<vmem>> -> memref<80xi32, #tpu.memory_space<vmem>>
      %dma_start3A_100 = tpu.memref_slice %arg2[%add3A_6] : memref<10240xi32, #tpu.memory_space<hbm>> -> memref<80xi32, #tpu.memory_space<hbm>>
      tpu.enqueue_dma source(%dma_start3A_100 : memref<80xi32, #tpu.memory_space<hbm>>) target(%dma_start3A_99 : memref<80xi32, #tpu.memory_space<vmem>>) target_semaphore(%run_scoped3A_92 : memref<!tpu.dma_semaphore, #tpu.memory_space<semaphore_mem>>)
      %dma_wait3A_101 = arith.constant 0 : i32
      %dma_wait3A_102 = tpu.memref_slice %arg5[%run_scoped3A_7, %dma_wait3A_101] : memref<4x80xi32, #tpu.memory_space<vmem>> -> memref<1x80xi32, #tpu.memory_space<vmem>>
      %dma_wait3A_103 = tpu.memref_squeeze %dma_wait3A_102 : memref<1x80xi32, #tpu.memory_space<vmem>> -> memref<80xi32, #tpu.memory_space<vmem>>
      %dma_wait3A_104 = tpu.memref_slice %arg2[%add3A_6] : memref<10240xi32, #tpu.memory_space<hbm>> -> memref<80xi32, #tpu.memory_space<hbm>>
      %dma_wait3A_105 = arith.constant 0 : i32
      %dma_wait3A_106 = tpu.memref_slice %arg5[%run_scoped3A_7, %dma_wait3A_105] : memref<4x80xi32, #tpu.memory_space<vmem>> -> memref<1x80xi32, #tpu.memory_space<vmem>>
      %dma_wait3A_107 = tpu.memref_squeeze %dma_wait3A_106 : memref<1x80xi32, #tpu.memory_space<vmem>> -> memref<80xi32, #tpu.memory_space<vmem>>
      %dma_wait3A_108 = tpu.memref_slice %arg2[%add3A_6] : memref<10240xi32, #tpu.memory_space<hbm>> -> memref<80xi32, #tpu.memory_space<hbm>>
      tpu.wait_dma2 semaphore(%run_scoped3A_92 : memref<!tpu.dma_semaphore, #tpu.memory_space<semaphore_mem>>) src(%dma_wait3A_108 : memref<80xi32, #tpu.memory_space<hbm>>) dst(%dma_wait3A_107 : memref<80xi32, #tpu.memory_space<vmem>>)
      tpu.yield
    }) : () -> ()
    %add3A_8 = arith.constant 160 : i32
    %add3A_9 = arith.addi %mul3A_2, %add3A_8 : i32
    %run_scoped3A_10 = arith.constant 2 : i32
    "tpu.region"() ({
      %run_scoped3A_92 = tpu.sem_alloc : memref<!tpu.dma_semaphore, #tpu.memory_space<semaphore_mem>>
      %dma_start3A_93 = arith.constant 0 : i32
      %dma_start3A_94 = tpu.memref_slice %arg5[%run_scoped3A_10, %dma_start3A_93] : memref<4x80xi32, #tpu.memory_space<vmem>> -> memref<1x80xi32, #tpu.memory_space<vmem>>
      %dma_start3A_95 = tpu.memref_squeeze %dma_start3A_94 : memref<1x80xi32, #tpu.memory_space<vmem>> -> memref<80xi32, #tpu.memory_space<vmem>>
      %dma_start3A_96 = tpu.memref_slice %arg2[%add3A_9] : memref<10240xi32, #tpu.memory_space<hbm>> -> memref<80xi32, #tpu.memory_space<hbm>>
      %dma_start3A_97 = arith.constant 0 : i32
      %dma_start3A_98 = tpu.memref_slice %arg5[%run_scoped3A_10, %dma_start3A_97] : memref<4x80xi32, #tpu.memory_space<vmem>> -> memref<1x80xi32, #tpu.memory_space<vmem>>
      %dma_start3A_99 = tpu.memref_squeeze %dma_start3A_98 : memref<1x80xi32, #tpu.memory_space<vmem>> -> memref<80xi32, #tpu.memory_space<vmem>>
      %dma_start3A_100 = tpu.memref_slice %arg2[%add3A_9] : memref<10240xi32, #tpu.memory_space<hbm>> -> memref<80xi32, #tpu.memory_space<hbm>>
      tpu.enqueue_dma source(%dma_start3A_100 : memref<80xi32, #tpu.memory_space<hbm>>) target(%dma_start3A_99 : memref<80xi32, #tpu.memory_space<vmem>>) target_semaphore(%run_scoped3A_92 : memref<!tpu.dma_semaphore, #tpu.memory_space<semaphore_mem>>)
      %dma_wait3A_101 = arith.constant 0 : i32
      %dma_wait3A_102 = tpu.memref_slice %arg5[%run_scoped3A_10, %dma_wait3A_101] : memref<4x80xi32, #tpu.memory_space<vmem>> -> memref<1x80xi32, #tpu.memory_space<vmem>>
      %dma_wait3A_103 = tpu.memref_squeeze %dma_wait3A_102 : memref<1x80xi32, #tpu.memory_space<vmem>> -> memref<80xi32, #tpu.memory_space<vmem>>
      %dma_wait3A_104 = tpu.memref_slice %arg2[%add3A_9] : memref<10240xi32, #tpu.memory_space<hbm>> -> memref<80xi32, #tpu.memory_space<hbm>>
      %dma_wait3A_105 = arith.constant 0 : i32
      %dma_wait3A_106 = tpu.memref_slice %arg5[%run_scoped3A_10, %dma_wait3A_105] : memref<4x80xi32, #tpu.memory_space<vmem>> -> memref<1x80xi32, #tpu.memory_space<vmem>>
      %dma_wait3A_107 = tpu.memref_squeeze %dma_wait3A_106 : memref<1x80xi32, #tpu.memory_space<vmem>> -> memref<80xi32, #tpu.memory_space<vmem>>
      %dma_wait3A_108 = tpu.memref_slice %arg2[%add3A_9] : memref<10240xi32, #tpu.memory_space<hbm>> -> memref<80xi32, #tpu.memory_space<hbm>>
      tpu.wait_dma2 semaphore(%run_scoped3A_92 : memref<!tpu.dma_semaphore, #tpu.memory_space<semaphore_mem>>) src(%dma_wait3A_108 : memref<80xi32, #tpu.memory_space<hbm>>) dst(%dma_wait3A_107 : memref<80xi32, #tpu.memory_space<vmem>>)
      tpu.yield
    }) : () -> ()
    %add3A_11 = arith.constant 240 : i32
    %add3A_12 = arith.addi %mul3A_2, %add3A_11 : i32
    %run_scoped3A_13 = arith.constant 3 : i32
    "tpu.region"() ({
      %run_scoped3A_92 = tpu.sem_alloc : memref<!tpu.dma_semaphore, #tpu.memory_space<semaphore_mem>>
      %dma_start3A_93 = arith.constant 0 : i32
      %dma_start3A_94 = tpu.memref_slice %arg5[%run_scoped3A_13, %dma_start3A_93] : memref<4x80xi32, #tpu.memory_space<vmem>> -> memref<1x80xi32, #tpu.memory_space<vmem>>
      %dma_start3A_95 = tpu.memref_squeeze %dma_start3A_94 : memref<1x80xi32, #tpu.memory_space<vmem>> -> memref<80xi32, #tpu.memory_space<vmem>>
      %dma_start3A_96 = tpu.memref_slice %arg2[%add3A_12] : memref<10240xi32, #tpu.memory_space<hbm>> -> memref<80xi32, #tpu.memory_space<hbm>>
      %dma_start3A_97 = arith.constant 0 : i32
      %dma_start3A_98 = tpu.memref_slice %arg5[%run_scoped3A_13, %dma_start3A_97] : memref<4x80xi32, #tpu.memory_space<vmem>> -> memref<1x80xi32, #tpu.memory_space<vmem>>
      %dma_start3A_99 = tpu.memref_squeeze %dma_start3A_98 : memref<1x80xi32, #tpu.memory_space<vmem>> -> memref<80xi32, #tpu.memory_space<vmem>>
      %dma_start3A_100 = tpu.memref_slice %arg2[%add3A_12] : memref<10240xi32, #tpu.memory_space<hbm>> -> memref<80xi32, #tpu.memory_space<hbm>>
      tpu.enqueue_dma source(%dma_start3A_100 : memref<80xi32, #tpu.memory_space<hbm>>) target(%dma_start3A_99 : memref<80xi32, #tpu.memory_space<vmem>>) target_semaphore(%run_scoped3A_92 : memref<!tpu.dma_semaphore, #tpu.memory_space<semaphore_mem>>)
      %dma_wait3A_101 = arith.constant 0 : i32
      %dma_wait3A_102 = tpu.memref_slice %arg5[%run_scoped3A_13, %dma_wait3A_101] : memref<4x80xi32, #tpu.memory_space<vmem>> -> memref<1x80xi32, #tpu.memory_space<vmem>>
      %dma_wait3A_103 = tpu.memref_squeeze %dma_wait3A_102 : memref<1x80xi32, #tpu.memory_space<vmem>> -> memref<80xi32, #tpu.memory_space<vmem>>
      %dma_wait3A_104 = tpu.memref_slice %arg2[%add3A_12] : memref<10240xi32, #tpu.memory_space<hbm>> -> memref<80xi32, #tpu.memory_space<hbm>>
      %dma_wait3A_105 = arith.constant 0 : i32
      %dma_wait3A_106 = tpu.memref_slice %arg5[%run_scoped3A_13, %dma_wait3A_105] : memref<4x80xi32, #tpu.memory_space<vmem>> -> memref<1x80xi32, #tpu.memory_space<vmem>>
      %dma_wait3A_107 = tpu.memref_squeeze %dma_wait3A_106 : memref<1x80xi32, #tpu.memory_space<vmem>> -> memref<80xi32, #tpu.memory_space<vmem>>
      %dma_wait3A_108 = tpu.memref_slice %arg2[%add3A_12] : memref<10240xi32, #tpu.memory_space<hbm>> -> memref<80xi32, #tpu.memory_space<hbm>>
      tpu.wait_dma2 semaphore(%run_scoped3A_92 : memref<!tpu.dma_semaphore, #tpu.memory_space<semaphore_mem>>) src(%dma_wait3A_108 : memref<80xi32, #tpu.memory_space<hbm>>) dst(%dma_wait3A_107 : memref<80xi32, #tpu.memory_space<vmem>>)
      tpu.yield
    }) : () -> ()
    "tpu.region"() ({
      %run_scoped3A_92 = tpu.sem_alloc : memref<!tpu.dma_semaphore, #tpu.memory_space<semaphore_mem>>
      %dma_start3A_93 = arith.constant 0 : i32
      %dma_start3A_94 = tpu.memref_slice %arg3[%mul3A_2, %dma_start3A_93] : memref<10240x128xf32, #tpu.memory_space<hbm>> -> memref<320x128xf32, #tpu.memory_space<hbm>>
      %dma_start3A_95 = arith.constant 0 : i32
      %dma_start3A_96 = tpu.memref_slice %arg3[%mul3A_2, %dma_start3A_95] : memref<10240x128xf32, #tpu.memory_space<hbm>> -> memref<320x128xf32, #tpu.memory_space<hbm>>
      tpu.enqueue_dma source(%dma_start3A_96 : memref<320x128xf32, #tpu.memory_space<hbm>>) target(%arg6 : memref<320x128xf32, #tpu.memory_space<vmem>>) target_semaphore(%run_scoped3A_92 : memref<!tpu.dma_semaphore, #tpu.memory_space<semaphore_mem>>)
      %dma_wait3A_97 = arith.constant 0 : i32
      %dma_wait3A_98 = tpu.memref_slice %arg3[%mul3A_2, %dma_wait3A_97] : memref<10240x128xf32, #tpu.memory_space<hbm>> -> memref<320x128xf32, #tpu.memory_space<hbm>>
      %dma_wait3A_99 = arith.constant 0 : i32
      %dma_wait3A_100 = tpu.memref_slice %arg3[%mul3A_2, %dma_wait3A_99] : memref<10240x128xf32, #tpu.memory_space<hbm>> -> memref<320x128xf32, #tpu.memory_space<hbm>>
      tpu.wait_dma2 semaphore(%run_scoped3A_92 : memref<!tpu.dma_semaphore, #tpu.memory_space<semaphore_mem>>) src(%dma_wait3A_100 : memref<320x128xf32, #tpu.memory_space<hbm>>) dst(%arg6 : memref<320x128xf32, #tpu.memory_space<vmem>>)
      tpu.yield
    }) : () -> ()
    %dma_start3A = arith.constant 0 : i32
    %dma_start3A_14 = arith.constant 0 : i32
    %dma_start3A_15 = arith.constant 0 : i32
    %dma_start3A_16 = tpu.memref_slice %arg6[%dma_start3A_14, %dma_start3A_15] : memref<320x128xf32, #tpu.memory_space<vmem>> -> memref<80x128xf32, #tpu.memory_space<vmem>>
    %dma_start3A_17 = arith.constant 0 : i32
    %dma_start3A_18 = tpu.memref_slice %arg5[%dma_start3A, %dma_start3A_17] : memref<4x80xi32, #tpu.memory_space<vmem>> -> memref<1x80xi32, #tpu.memory_space<vmem>>
    %dma_start3A_19 = tpu.memref_squeeze %dma_start3A_18 : memref<1x80xi32, #tpu.memory_space<vmem>> -> memref<80xi32, #tpu.memory_space<vmem>>
    %dma_start3A_20 = arith.constant 0 : i32
    %dma_start3A_21 = arith.constant 0 : i32
    %dma_start3A_22 = tpu.memref_slice %arg4[%dma_start3A_20, %dma_start3A_21] : memref<10240x128xf32, #tpu.memory_space<hbm>> -> memref<10240x128xf32, #tpu.memory_space<hbm>>
    tpu.enqueue_indirect_dma source(%dma_start3A_16 : memref<80x128xf32, #tpu.memory_space<vmem>>) target(%dma_start3A_22 : memref<10240x128xf32, #tpu.memory_space<hbm>>) offsets(%dma_start3A_19 : memref<80xi32, #tpu.memory_space<vmem>>) semaphore(%arg7 : memref<!tpu.dma_semaphore, #tpu.memory_space<semaphore_mem>>)
    %dma_start3A_23 = arith.constant 1 : i32
    %dma_start3A_24 = arith.constant 80 : i32
    %dma_start3A_25 = arith.constant 0 : i32
    %dma_start3A_26 = tpu.memref_slice %arg6[%dma_start3A_24, %dma_start3A_25] : memref<320x128xf32, #tpu.memory_space<vmem>> -> memref<80x128xf32, #tpu.memory_space<vmem>>
    %dma_start3A_27 = arith.constant 0 : i32
    %dma_start3A_28 = tpu.memref_slice %arg5[%dma_start3A_23, %dma_start3A_27] : memref<4x80xi32, #tpu.memory_space<vmem>> -> memref<1x80xi32, #tpu.memory_space<vmem>>
    %dma_start3A_29 = tpu.memref_squeeze %dma_start3A_28 : memref<1x80xi32, #tpu.memory_space<vmem>> -> memref<80xi32, #tpu.memory_space<vmem>>
    %dma_start3A_30 = arith.constant 0 : i32
    %dma_start3A_31 = arith.constant 0 : i32
    %dma_start3A_32 = tpu.memref_slice %arg4[%dma_start3A_30, %dma_start3A_31] : memref<10240x128xf32, #tpu.memory_space<hbm>> -> memref<10240x128xf32, #tpu.memory_space<hbm>>
    tpu.enqueue_indirect_dma source(%dma_start3A_26 : memref<80x128xf32, #tpu.memory_space<vmem>>) target(%dma_start3A_32 : memref<10240x128xf32, #tpu.memory_space<hbm>>) offsets(%dma_start3A_29 : memref<80xi32, #tpu.memory_space<vmem>>) semaphore(%arg7 : memref<!tpu.dma_semaphore, #tpu.memory_space<semaphore_mem>>)
    %dma_start3A_33 = arith.constant 2 : i32
    %dma_start3A_34 = arith.constant 160 : i32
    %dma_start3A_35 = arith.constant 0 : i32
    %dma_start3A_36 = tpu.memref_slice %arg6[%dma_start3A_34, %dma_start3A_35] : memref<320x128xf32, #tpu.memory_space<vmem>> -> memref<80x128xf32, #tpu.memory_space<vmem>>
    %dma_start3A_37 = arith.constant 0 : i32
    %dma_start3A_38 = tpu.memref_slice %arg5[%dma_start3A_33, %dma_start3A_37] : memref<4x80xi32, #tpu.memory_space<vmem>> -> memref<1x80xi32, #tpu.memory_space<vmem>>
    %dma_start3A_39 = tpu.memref_squeeze %dma_start3A_38 : memref<1x80xi32, #tpu.memory_space<vmem>> -> memref<80xi32, #tpu.memory_space<vmem>>
    %dma_start3A_40 = arith.constant 0 : i32
    %dma_start3A_41 = arith.constant 0 : i32
    %dma_start3A_42 = tpu.memref_slice %arg4[%dma_start3A_40, %dma_start3A_41] : memref<10240x128xf32, #tpu.memory_space<hbm>> -> memref<10240x128xf32, #tpu.memory_space<hbm>>
    tpu.enqueue_indirect_dma source(%dma_start3A_36 : memref<80x128xf32, #tpu.memory_space<vmem>>) target(%dma_start3A_42 : memref<10240x128xf32, #tpu.memory_space<hbm>>) offsets(%dma_start3A_39 : memref<80xi32, #tpu.memory_space<vmem>>) semaphore(%arg7 : memref<!tpu.dma_semaphore, #tpu.memory_space<semaphore_mem>>)
    %dma_start3A_43 = arith.constant 3 : i32
    %dma_start3A_44 = arith.constant 240 : i32
    %dma_start3A_45 = arith.constant 0 : i32
    %dma_start3A_46 = tpu.memref_slice %arg6[%dma_start3A_44, %dma_start3A_45] : memref<320x128xf32, #tpu.memory_space<vmem>> -> memref<80x128xf32, #tpu.memory_space<vmem>>
    %dma_start3A_47 = arith.constant 0 : i32
    %dma_start3A_48 = tpu.memref_slice %arg5[%dma_start3A_43, %dma_start3A_47] : memref<4x80xi32, #tpu.memory_space<vmem>> -> memref<1x80xi32, #tpu.memory_space<vmem>>
    %dma_start3A_49 = tpu.memref_squeeze %dma_start3A_48 : memref<1x80xi32, #tpu.memory_space<vmem>> -> memref<80xi32, #tpu.memory_space<vmem>>
    %dma_start3A_50 = arith.constant 0 : i32
    %dma_start3A_51 = arith.constant 0 : i32
    %dma_start3A_52 = tpu.memref_slice %arg4[%dma_start3A_50, %dma_start3A_51] : memref<10240x128xf32, #tpu.memory_space<hbm>> -> memref<10240x128xf32, #tpu.memory_space<hbm>>
    tpu.enqueue_indirect_dma source(%dma_start3A_46 : memref<80x128xf32, #tpu.memory_space<vmem>>) target(%dma_start3A_52 : memref<10240x128xf32, #tpu.memory_space<hbm>>) offsets(%dma_start3A_49 : memref<80xi32, #tpu.memory_space<vmem>>) semaphore(%arg7 : memref<!tpu.dma_semaphore, #tpu.memory_space<semaphore_mem>>)
    %dma_wait3A = arith.constant 0 : i32
    %dma_wait3A_53 = arith.constant 0 : i32
    %dma_wait3A_54 = arith.constant 0 : i32
    %dma_wait3A_55 = tpu.memref_slice %arg6[%dma_wait3A_53, %dma_wait3A_54] : memref<320x128xf32, #tpu.memory_space<vmem>> -> memref<80x128xf32, #tpu.memory_space<vmem>>
    %dma_wait3A_56 = arith.constant 0 : i32
    %dma_wait3A_57 = tpu.memref_slice %arg5[%dma_wait3A, %dma_wait3A_56] : memref<4x80xi32, #tpu.memory_space<vmem>> -> memref<1x80xi32, #tpu.memory_space<vmem>>
    %dma_wait3A_58 = tpu.memref_squeeze %dma_wait3A_57 : memref<1x80xi32, #tpu.memory_space<vmem>> -> memref<80xi32, #tpu.memory_space<vmem>>
    %dma_wait3A_59 = arith.constant 0 : i32
    %dma_wait3A_60 = arith.constant 0 : i32
    %dma_wait3A_61 = tpu.memref_slice %arg4[%dma_wait3A_59, %dma_wait3A_60] : memref<10240x128xf32, #tpu.memory_space<hbm>> -> memref<10240x128xf32, #tpu.memory_space<hbm>>
    tpu.wait_indirect_dma semaphore(%arg7 : memref<!tpu.dma_semaphore, #tpu.memory_space<semaphore_mem>>) src(%dma_wait3A_55 : memref<80x128xf32, #tpu.memory_space<vmem>>) dst(%dma_wait3A_61 : memref<10240x128xf32, #tpu.memory_space<hbm>>)
    %dma_wait3A_62 = arith.constant 1 : i32
    %dma_wait3A_63 = arith.constant 80 : i32
    %dma_wait3A_64 = arith.constant 0 : i32
    %dma_wait3A_65 = tpu.memref_slice %arg6[%dma_wait3A_63, %dma_wait3A_64] : memref<320x128xf32, #tpu.memory_space<vmem>> -> memref<80x128xf32, #tpu.memory_space<vmem>>
    %dma_wait3A_66 = arith.constant 0 : i32
    %dma_wait3A_67 = tpu.memref_slice %arg5[%dma_wait3A_62, %dma_wait3A_66] : memref<4x80xi32, #tpu.memory_space<vmem>> -> memref<1x80xi32, #tpu.memory_space<vmem>>
    %dma_wait3A_68 = tpu.memref_squeeze %dma_wait3A_67 : memref<1x80xi32, #tpu.memory_space<vmem>> -> memref<80xi32, #tpu.memory_space<vmem>>
    %dma_wait3A_69 = arith.constant 0 : i32
    %dma_wait3A_70 = arith.constant 0 : i32
    %dma_wait3A_71 = tpu.memref_slice %arg4[%dma_wait3A_69, %dma_wait3A_70] : memref<10240x128xf32, #tpu.memory_space<hbm>> -> memref<10240x128xf32, #tpu.memory_space<hbm>>
    tpu.wait_indirect_dma semaphore(%arg7 : memref<!tpu.dma_semaphore, #tpu.memory_space<semaphore_mem>>) src(%dma_wait3A_65 : memref<80x128xf32, #tpu.memory_space<vmem>>) dst(%dma_wait3A_71 : memref<10240x128xf32, #tpu.memory_space<hbm>>)
    %dma_wait3A_72 = arith.constant 2 : i32
    %dma_wait3A_73 = arith.constant 160 : i32
    %dma_wait3A_74 = arith.constant 0 : i32
    %dma_wait3A_75 = tpu.memref_slice %arg6[%dma_wait3A_73, %dma_wait3A_74] : memref<320x128xf32, #tpu.memory_space<vmem>> -> memref<80x128xf32, #tpu.memory_space<vmem>>
    %dma_wait3A_76 = arith.constant 0 : i32
    %dma_wait3A_77 = tpu.memref_slice %arg5[%dma_wait3A_72, %dma_wait3A_76] : memref<4x80xi32, #tpu.memory_space<vmem>> -> memref<1x80xi32, #tpu.memory_space<vmem>>
    %dma_wait3A_78 = tpu.memref_squeeze %dma_wait3A_77 : memref<1x80xi32, #tpu.memory_space<vmem>> -> memref<80xi32, #tpu.memory_space<vmem>>
    %dma_wait3A_79 = arith.constant 0 : i32
    %dma_wait3A_80 = arith.constant 0 : i32
    %dma_wait3A_81 = tpu.memref_slice %arg4[%dma_wait3A_79, %dma_wait3A_80] : memref<10240x128xf32, #tpu.memory_space<hbm>> -> memref<10240x128xf32, #tpu.memory_space<hbm>>
    tpu.wait_indirect_dma semaphore(%arg7 : memref<!tpu.dma_semaphore, #tpu.memory_space<semaphore_mem>>) src(%dma_wait3A_75 : memref<80x128xf32, #tpu.memory_space<vmem>>) dst(%dma_wait3A_81 : memref<10240x128xf32, #tpu.memory_space<hbm>>)
    %dma_wait3A_82 = arith.constant 3 : i32
    %dma_wait3A_83 = arith.constant 240 : i32
    %dma_wait3A_84 = arith.constant 0 : i32
    %dma_wait3A_85 = tpu.memref_slice %arg6[%dma_wait3A_83, %dma_wait3A_84] : memref<320x128xf32, #tpu.memory_space<vmem>> -> memref<80x128xf32, #tpu.memory_space<vmem>>
    %dma_wait3A_86 = arith.constant 0 : i32
    %dma_wait3A_87 = tpu.memref_slice %arg5[%dma_wait3A_82, %dma_wait3A_86] : memref<4x80xi32, #tpu.memory_space<vmem>> -> memref<1x80xi32, #tpu.memory_space<vmem>>
    %dma_wait3A_88 = tpu.memref_squeeze %dma_wait3A_87 : memref<1x80xi32, #tpu.memory_space<vmem>> -> memref<80xi32, #tpu.memory_space<vmem>>
    %dma_wait3A_89 = arith.constant 0 : i32
    %dma_wait3A_90 = arith.constant 0 : i32
    %dma_wait3A_91 = tpu.memref_slice %arg4[%dma_wait3A_89, %dma_wait3A_90] : memref<10240x128xf32, #tpu.memory_space<hbm>> -> memref<10240x128xf32, #tpu.memory_space<hbm>>
    tpu.wait_indirect_dma semaphore(%arg7 : memref<!tpu.dma_semaphore, #tpu.memory_space<semaphore_mem>>) src(%dma_wait3A_85 : memref<80x128xf32, #tpu.memory_space<vmem>>) dst(%dma_wait3A_91 : memref<10240x128xf32, #tpu.memory_space<hbm>>)
    return
  }
}

module attributes {stable_mosaic.version = 14 : i64} {
  func.func @_k1_body(%arg0: i32, %arg1: memref<1x5000x32xf32, #tpu.memory_space<vmem>>, %arg2: memref<1x5000x5xf32, #tpu.memory_space<vmem>>, %arg3: memref<1x5000x1xi32, #tpu.memory_space<vmem>>, %arg4: memref<5120x128xf32, #tpu.memory_space<vmem>>) attributes {dimension_semantics = [#tpu.dimension_semantics<arbitrary>], iteration_bounds = array<i64: 2>, scalar_prefetch = 0 : i64, scratch_operands = 0 : i64, tpu.core_type = #tpu.core_type<tc>, window_params = [{transform_indices = @transform_0, window_bounds = array<i64: 1, 5000, 32>}, {transform_indices = @transform_1, window_bounds = array<i64: 1, 5000, 5>}, {transform_indices = @transform_2, window_bounds = array<i64: 1, 5000, 1>}, {transform_indices = @transform_3, window_bounds = array<i64: 5120, 128>}]} {
    %get3A = arith.constant 0 : index
    %get3A_0 = arith.constant 0 : index
    %get3A_1 = arith.constant 0 : index
    %get3A_2 = vector.load %arg1[%get3A, %get3A_0, %get3A_1] : memref<1x5000x32xf32, #tpu.memory_space<vmem>>, vector<1x5000x32xf32>
    %get3A_3 = vector.shape_cast %get3A_2 : vector<1x5000x32xf32> to vector<5000x32xf32>
    %get3A_4 = arith.constant 0 : index
    %get3A_5 = arith.constant 0 : index
    %get3A_6 = arith.constant 0 : index
    %get3A_7 = vector.load %arg2[%get3A_4, %get3A_5, %get3A_6] : memref<1x5000x5xf32, #tpu.memory_space<vmem>>, vector<1x5000x5xf32>
    %get3A_8 = vector.shape_cast %get3A_7 : vector<1x5000x5xf32> to vector<5000x5xf32>
    %neg3A = arith.constant 0.000000e+00 : f32
    %neg3A_9 = vector.broadcast %neg3A : f32 to vector<5000x5xf32>
    %neg3A_10 = arith.subf %neg3A_9, %get3A_8 : vector<5000x5xf32>
    %concatenate3A = tpu.concatenate %get3A_8, %neg3A_10 in 1 : vector<5000x5xf32>, vector<5000x5xf32> -> vector<5000x10xf32>
    %reduce_max3A = arith.constant dense<0xFF800000> : vector<5000xf32>
    %reduce_max3A_11 = vector.multi_reduction <maximumf>, %concatenate3A, %reduce_max3A [1] : vector<5000x10xf32> to vector<5000xf32>
    %broadcast_in_dim3A = vector.shape_cast %reduce_max3A_11 : vector<5000xf32> to vector<5000x1xf32>
    %iota3A = tpu.iota {dimensions = array<i32: 1>} : vector<5000x10xi32>
    %eq3A = vector.broadcast %broadcast_in_dim3A : vector<5000x1xf32> to vector<5000x10xf32>
    %eq3A_12 = arith.cmpf oeq, %concatenate3A, %eq3A : vector<5000x10xf32>
    %jit3A = arith.constant 100 : i32
    %broadcast_in_dim3A_13 = vector.broadcast %jit3A : i32 to vector<5000x10xi32>
    %select_n3A = arith.select %eq3A_12, %iota3A, %broadcast_in_dim3A_13 : vector<5000x10xi1>, vector<5000x10xi32>
    %reduce_min3A = arith.constant dense<2147483647> : vector<5000xi32>
    %reduce_min3A_14 = vector.multi_reduction <minsi>, %select_n3A, %reduce_min3A [1] : vector<5000x10xi32> to vector<5000xi32>
    %broadcast_in_dim3A_15 = vector.shape_cast %reduce_min3A_14 : vector<5000xi32> to vector<5000x1xi32>
    %iota3A_16 = tpu.iota {dimensions = array<i32: 1>} : vector<5000x16xi32>
    %eq3A_17 = vector.broadcast %broadcast_in_dim3A_15 : vector<5000x1xi32> to vector<5000x16xi32>
    %eq3A_18 = arith.cmpi eq, %iota3A_16, %eq3A_17 : vector<5000x16xi32>
    %jit3A_19 = arith.constant 1.000000e+00 : f32
    %jit3A_20 = arith.constant 0.000000e+00 : f32
    %broadcast_in_dim3A_21 = vector.broadcast %jit3A_19 : f32 to vector<5000x16xf32>
    %broadcast_in_dim3A_22 = vector.broadcast %jit3A_20 : f32 to vector<5000x16xf32>
    %select_n3A_23 = arith.select %eq3A_18, %broadcast_in_dim3A_21, %broadcast_in_dim3A_22 : vector<5000x16xi1>, vector<5000x16xf32>
    %broadcast_in_dim3A_24 = arith.constant 0.000000e+00 : f32
    %broadcast_in_dim3A_25 = vector.broadcast %broadcast_in_dim3A_24 : f32 to vector<1x16xf32>
    %slice3A = vector.extract_strided_slice %select_n3A_23 {offsets = [0, 0], sizes = [4999, 16], strides = [1, 1]} : vector<5000x16xf32> to vector<4999x16xf32>
    %concatenate3A_26 = tpu.concatenate %broadcast_in_dim3A_25, %slice3A in 0 : vector<1x16xf32>, vector<4999x16xf32> -> vector<5000x16xf32>
    %add3A = arith.addf %select_n3A_23, %concatenate3A_26 : vector<5000x16xf32>
    %broadcast_in_dim3A_27 = arith.constant 0.000000e+00 : f32
    %broadcast_in_dim3A_28 = vector.broadcast %broadcast_in_dim3A_27 : f32 to vector<2x16xf32>
    %slice3A_29 = vector.extract_strided_slice %add3A {offsets = [0, 0], sizes = [4998, 16], strides = [1, 1]} : vector<5000x16xf32> to vector<4998x16xf32>
    %concatenate3A_30 = tpu.concatenate %broadcast_in_dim3A_28, %slice3A_29 in 0 : vector<2x16xf32>, vector<4998x16xf32> -> vector<5000x16xf32>
    %add3A_31 = arith.addf %add3A, %concatenate3A_30 : vector<5000x16xf32>
    %broadcast_in_dim3A_32 = arith.constant 0.000000e+00 : f32
    %broadcast_in_dim3A_33 = vector.broadcast %broadcast_in_dim3A_32 : f32 to vector<4x16xf32>
    %slice3A_34 = vector.extract_strided_slice %add3A_31 {offsets = [0, 0], sizes = [4996, 16], strides = [1, 1]} : vector<5000x16xf32> to vector<4996x16xf32>
    %concatenate3A_35 = tpu.concatenate %broadcast_in_dim3A_33, %slice3A_34 in 0 : vector<4x16xf32>, vector<4996x16xf32> -> vector<5000x16xf32>
    %add3A_36 = arith.addf %add3A_31, %concatenate3A_35 : vector<5000x16xf32>
    %broadcast_in_dim3A_37 = arith.constant 0.000000e+00 : f32
    %broadcast_in_dim3A_38 = vector.broadcast %broadcast_in_dim3A_37 : f32 to vector<8x16xf32>
    %slice3A_39 = vector.extract_strided_slice %add3A_36 {offsets = [0, 0], sizes = [4992, 16], strides = [1, 1]} : vector<5000x16xf32> to vector<4992x16xf32>
    %concatenate3A_40 = tpu.concatenate %broadcast_in_dim3A_38, %slice3A_39 in 0 : vector<8x16xf32>, vector<4992x16xf32> -> vector<5000x16xf32>
    %add3A_41 = arith.addf %add3A_36, %concatenate3A_40 : vector<5000x16xf32>
    %broadcast_in_dim3A_42 = arith.constant 0.000000e+00 : f32
    %broadcast_in_dim3A_43 = vector.broadcast %broadcast_in_dim3A_42 : f32 to vector<16x16xf32>
    %slice3A_44 = vector.extract_strided_slice %add3A_41 {offsets = [0, 0], sizes = [4984, 16], strides = [1, 1]} : vector<5000x16xf32> to vector<4984x16xf32>
    %concatenate3A_45 = tpu.concatenate %broadcast_in_dim3A_43, %slice3A_44 in 0 : vector<16x16xf32>, vector<4984x16xf32> -> vector<5000x16xf32>
    %add3A_46 = arith.addf %add3A_41, %concatenate3A_45 : vector<5000x16xf32>
    %broadcast_in_dim3A_47 = arith.constant 0.000000e+00 : f32
    %broadcast_in_dim3A_48 = vector.broadcast %broadcast_in_dim3A_47 : f32 to vector<32x16xf32>
    %slice3A_49 = vector.extract_strided_slice %add3A_46 {offsets = [0, 0], sizes = [4968, 16], strides = [1, 1]} : vector<5000x16xf32> to vector<4968x16xf32>
    %concatenate3A_50 = tpu.concatenate %broadcast_in_dim3A_48, %slice3A_49 in 0 : vector<32x16xf32>, vector<4968x16xf32> -> vector<5000x16xf32>
    %add3A_51 = arith.addf %add3A_46, %concatenate3A_50 : vector<5000x16xf32>
    %broadcast_in_dim3A_52 = arith.constant 0.000000e+00 : f32
    %broadcast_in_dim3A_53 = vector.broadcast %broadcast_in_dim3A_52 : f32 to vector<64x16xf32>
    %slice3A_54 = vector.extract_strided_slice %add3A_51 {offsets = [0, 0], sizes = [4936, 16], strides = [1, 1]} : vector<5000x16xf32> to vector<4936x16xf32>
    %concatenate3A_55 = tpu.concatenate %broadcast_in_dim3A_53, %slice3A_54 in 0 : vector<64x16xf32>, vector<4936x16xf32> -> vector<5000x16xf32>
    %add3A_56 = arith.addf %add3A_51, %concatenate3A_55 : vector<5000x16xf32>
    %broadcast_in_dim3A_57 = arith.constant 0.000000e+00 : f32
    %broadcast_in_dim3A_58 = vector.broadcast %broadcast_in_dim3A_57 : f32 to vector<128x16xf32>
    %slice3A_59 = vector.extract_strided_slice %add3A_56 {offsets = [0, 0], sizes = [4872, 16], strides = [1, 1]} : vector<5000x16xf32> to vector<4872x16xf32>
    %concatenate3A_60 = tpu.concatenate %broadcast_in_dim3A_58, %slice3A_59 in 0 : vector<128x16xf32>, vector<4872x16xf32> -> vector<5000x16xf32>
    %add3A_61 = arith.addf %add3A_56, %concatenate3A_60 : vector<5000x16xf32>
    %broadcast_in_dim3A_62 = arith.constant 0.000000e+00 : f32
    %broadcast_in_dim3A_63 = vector.broadcast %broadcast_in_dim3A_62 : f32 to vector<256x16xf32>
    %slice3A_64 = vector.extract_strided_slice %add3A_61 {offsets = [0, 0], sizes = [4744, 16], strides = [1, 1]} : vector<5000x16xf32> to vector<4744x16xf32>
    %concatenate3A_65 = tpu.concatenate %broadcast_in_dim3A_63, %slice3A_64 in 0 : vector<256x16xf32>, vector<4744x16xf32> -> vector<5000x16xf32>
    %add3A_66 = arith.addf %add3A_61, %concatenate3A_65 : vector<5000x16xf32>
    %broadcast_in_dim3A_67 = arith.constant 0.000000e+00 : f32
    %broadcast_in_dim3A_68 = vector.broadcast %broadcast_in_dim3A_67 : f32 to vector<512x16xf32>
    %slice3A_69 = vector.extract_strided_slice %add3A_66 {offsets = [0, 0], sizes = [4488, 16], strides = [1, 1]} : vector<5000x16xf32> to vector<4488x16xf32>
    %concatenate3A_70 = tpu.concatenate %broadcast_in_dim3A_68, %slice3A_69 in 0 : vector<512x16xf32>, vector<4488x16xf32> -> vector<5000x16xf32>
    %add3A_71 = arith.addf %add3A_66, %concatenate3A_70 : vector<5000x16xf32>
    %broadcast_in_dim3A_72 = arith.constant 0.000000e+00 : f32
    %broadcast_in_dim3A_73 = vector.broadcast %broadcast_in_dim3A_72 : f32 to vector<1024x16xf32>
    %slice3A_74 = vector.extract_strided_slice %add3A_71 {offsets = [0, 0], sizes = [3976, 16], strides = [1, 1]} : vector<5000x16xf32> to vector<3976x16xf32>
    %concatenate3A_75 = tpu.concatenate %broadcast_in_dim3A_73, %slice3A_74 in 0 : vector<1024x16xf32>, vector<3976x16xf32> -> vector<5000x16xf32>
    %add3A_76 = arith.addf %add3A_71, %concatenate3A_75 : vector<5000x16xf32>
    %broadcast_in_dim3A_77 = arith.constant 0.000000e+00 : f32
    %broadcast_in_dim3A_78 = vector.broadcast %broadcast_in_dim3A_77 : f32 to vector<2048x16xf32>
    %slice3A_79 = vector.extract_strided_slice %add3A_76 {offsets = [0, 0], sizes = [2952, 16], strides = [1, 1]} : vector<5000x16xf32> to vector<2952x16xf32>
    %concatenate3A_80 = tpu.concatenate %broadcast_in_dim3A_78, %slice3A_79 in 0 : vector<2048x16xf32>, vector<2952x16xf32> -> vector<5000x16xf32>
    %add3A_81 = arith.addf %add3A_76, %concatenate3A_80 : vector<5000x16xf32>
    %broadcast_in_dim3A_82 = arith.constant 0.000000e+00 : f32
    %broadcast_in_dim3A_83 = vector.broadcast %broadcast_in_dim3A_82 : f32 to vector<4096x16xf32>
    %slice3A_84 = vector.extract_strided_slice %add3A_81 {offsets = [0, 0], sizes = [904, 16], strides = [1, 1]} : vector<5000x16xf32> to vector<904x16xf32>
    %concatenate3A_85 = tpu.concatenate %broadcast_in_dim3A_83, %slice3A_84 in 0 : vector<4096x16xf32>, vector<904x16xf32> -> vector<5000x16xf32>
    %add3A_86 = arith.addf %add3A_81, %concatenate3A_85 : vector<5000x16xf32>
    %sub3A = arith.subf %add3A_86, %select_n3A_23 : vector<5000x16xf32>
    %reduce_sum3A = arith.constant dense<0.000000e+00> : vector<16xf32>
    %reduce_sum3A_87 = vector.multi_reduction <add>, %select_n3A_23, %reduce_sum3A [0] : vector<5000x16xf32> to vector<16xf32>
    %broadcast_in_dim3A_88 = vector.shape_cast %reduce_sum3A_87 : vector<16xf32> to vector<1x16xf32>
    %broadcast_in_dim3A_89 = arith.constant 0.000000e+00 : f32
    %broadcast_in_dim3A_90 = vector.broadcast %broadcast_in_dim3A_89 : f32 to vector<1x1xf32>
    %slice3A_91 = vector.extract_strided_slice %broadcast_in_dim3A_88 {offsets = [0, 0], sizes = [1, 15], strides = [1, 1]} : vector<1x16xf32> to vector<1x15xf32>
    %concatenate3A_92 = tpu.concatenate %broadcast_in_dim3A_90, %slice3A_91 in 1 : vector<1x1xf32>, vector<1x15xf32> -> vector<1x16xf32>
    %add3A_93 = arith.addf %broadcast_in_dim3A_88, %concatenate3A_92 : vector<1x16xf32>
    %broadcast_in_dim3A_94 = arith.constant 0.000000e+00 : f32
    %broadcast_in_dim3A_95 = vector.broadcast %broadcast_in_dim3A_94 : f32 to vector<1x2xf32>
    %slice3A_96 = vector.extract_strided_slice %add3A_93 {offsets = [0, 0], sizes = [1, 14], strides = [1, 1]} : vector<1x16xf32> to vector<1x14xf32>
    %concatenate3A_97 = tpu.concatenate %broadcast_in_dim3A_95, %slice3A_96 in 1 : vector<1x2xf32>, vector<1x14xf32> -> vector<1x16xf32>
    %add3A_98 = arith.addf %add3A_93, %concatenate3A_97 : vector<1x16xf32>
    %broadcast_in_dim3A_99 = arith.constant 0.000000e+00 : f32
    %broadcast_in_dim3A_100 = vector.broadcast %broadcast_in_dim3A_99 : f32 to vector<1x4xf32>
    %slice3A_101 = vector.extract_strided_slice %add3A_98 {offsets = [0, 0], sizes = [1, 12], strides = [1, 1]} : vector<1x16xf32> to vector<1x12xf32>
    %concatenate3A_102 = tpu.concatenate %broadcast_in_dim3A_100, %slice3A_101 in 1 : vector<1x4xf32>, vector<1x12xf32> -> vector<1x16xf32>
    %add3A_103 = arith.addf %add3A_98, %concatenate3A_102 : vector<1x16xf32>
    %broadcast_in_dim3A_104 = arith.constant 0.000000e+00 : f32
    %broadcast_in_dim3A_105 = vector.broadcast %broadcast_in_dim3A_104 : f32 to vector<1x8xf32>
    %slice3A_106 = vector.extract_strided_slice %add3A_103 {offsets = [0, 0], sizes = [1, 8], strides = [1, 1]} : vector<1x16xf32> to vector<1x8xf32>
    %concatenate3A_107 = tpu.concatenate %broadcast_in_dim3A_105, %slice3A_106 in 1 : vector<1x8xf32>, vector<1x8xf32> -> vector<1x16xf32>
    %add3A_108 = arith.addf %add3A_103, %concatenate3A_107 : vector<1x16xf32>
    %sub3A_109 = arith.subf %add3A_108, %broadcast_in_dim3A_88 : vector<1x16xf32>
    %add3A_110 = vector.broadcast %sub3A_109 : vector<1x16xf32> to vector<5000x16xf32>
    %add3A_111 = arith.addf %sub3A, %add3A_110 : vector<5000x16xf32>
    %mul3A = arith.mulf %add3A_111, %select_n3A_23 : vector<5000x16xf32>
    %reduce_sum3A_112 = arith.constant dense<0.000000e+00> : vector<5000xf32>
    %reduce_sum3A_113 = vector.multi_reduction <add>, %mul3A, %reduce_sum3A_112 [1] : vector<5000x16xf32> to vector<5000xf32>
    %broadcast_in_dim3A_114 = vector.shape_cast %reduce_sum3A_113 : vector<5000xf32> to vector<5000x1xf32>
    %convert_element_type3A = arith.fptosi %broadcast_in_dim3A_114 : vector<5000x1xf32> to vector<5000x1xi32>
    %jit3A_115 = arith.constant 500 : i32
    %div3A = vector.broadcast %jit3A_115 : i32 to vector<5000x1xi32>
    %div3A_116 = arith.divsi %convert_element_type3A, %div3A : vector<5000x1xi32>
    %sign3A = arith.constant 0 : i32
    %sign3A_117 = vector.broadcast %sign3A : i32 to vector<5000x1xi32>
    %sign3A_118 = arith.cmpi sgt, %convert_element_type3A, %sign3A_117 : vector<5000x1xi32>
    %sign3A_119 = arith.extui %sign3A_118 : vector<5000x1xi1> to vector<5000x1xi32>
    %sign3A_120 = arith.constant 0 : i32
    %sign3A_121 = vector.broadcast %sign3A_120 : i32 to vector<5000x1xi32>
    %sign3A_122 = arith.cmpi slt, %convert_element_type3A, %sign3A_121 : vector<5000x1xi32>
    %sign3A_123 = arith.extui %sign3A_122 : vector<5000x1xi1> to vector<5000x1xi32>
    %sign3A_124 = arith.subi %sign3A_119, %sign3A_123 : vector<5000x1xi32>
    %sign3A_125 = arith.constant 0 : i32
    %sign3A_126 = arith.cmpi sgt, %jit3A_115, %sign3A_125 : i32
    %sign3A_127 = arith.extui %sign3A_126 : i1 to i32
    %sign3A_128 = arith.constant 0 : i32
    %sign3A_129 = arith.cmpi slt, %jit3A_115, %sign3A_128 : i32
    %sign3A_130 = arith.extui %sign3A_129 : i1 to i32
    %sign3A_131 = arith.subi %sign3A_127, %sign3A_130 : i32
    %ne3A = vector.broadcast %sign3A_131 : i32 to vector<5000x1xi32>
    %ne3A_132 = arith.cmpi ne, %sign3A_124, %ne3A : vector<5000x1xi32>
    %rem3A = vector.broadcast %jit3A_115 : i32 to vector<5000x1xi32>
    %rem3A_133 = arith.remsi %convert_element_type3A, %rem3A : vector<5000x1xi32>
    %ne3A_134 = arith.constant 0 : i32
    %ne3A_135 = vector.broadcast %ne3A_134 : i32 to vector<5000x1xi32>
    %ne3A_136 = arith.cmpi ne, %rem3A_133, %ne3A_135 : vector<5000x1xi32>
    %and3A = arith.andi %ne3A_132, %ne3A_136 : vector<5000x1xi1>
    %sub3A_137 = arith.constant 1 : i32
    %sub3A_138 = vector.broadcast %sub3A_137 : i32 to vector<5000x1xi32>
    %sub3A_139 = arith.subi %div3A_116, %sub3A_138 : vector<5000x1xi32>
    %select_n3A_140 = arith.select %and3A, %sub3A_139, %div3A_116 : vector<5000x1xi1>, vector<5000x1xi32>
    %mul3A_141 = arith.constant 512 : i32
    %mul3A_142 = vector.broadcast %mul3A_141 : i32 to vector<5000x1xi32>
    %mul3A_143 = arith.muli %mul3A_142, %select_n3A_140 : vector<5000x1xi32>
    %jit3A_144 = arith.constant 500 : i32
    %eq3A_145 = arith.constant 0 : i32
    %eq3A_146 = arith.cmpi eq, %jit3A_144, %eq3A_145 : i32
    %jit3A_147 = arith.constant 1 : i32
    %select_n3A_148 = arith.select %eq3A_146, %jit3A_147, %jit3A_144 : i32
    %rem3A_149 = vector.broadcast %select_n3A_148 : i32 to vector<5000x1xi32>
    %rem3A_150 = arith.remsi %convert_element_type3A, %rem3A_149 : vector<5000x1xi32>
    %ne3A_151 = arith.constant 0 : i32
    %ne3A_152 = vector.broadcast %ne3A_151 : i32 to vector<5000x1xi32>
    %ne3A_153 = arith.cmpi ne, %rem3A_150, %ne3A_152 : vector<5000x1xi32>
    %lt3A = arith.constant 0 : i32
    %lt3A_154 = vector.broadcast %lt3A : i32 to vector<5000x1xi32>
    %lt3A_155 = arith.cmpi slt, %rem3A_150, %lt3A_154 : vector<5000x1xi32>
    %lt3A_156 = arith.constant 0 : i32
    %lt3A_157 = arith.cmpi slt, %select_n3A_148, %lt3A_156 : i32
    %ne3A_158 = vector.broadcast %lt3A_157 : i1 to vector<5000x1xi1>
    %ne3A_159 = vector.broadcast %ne3A_158 : vector<5000x1xi1> to vector<5000x1xi1>
    %ne3A_160 = arith.xori %lt3A_155, %ne3A_159 : vector<5000x1xi1>
    %and3A_161 = arith.andi %ne3A_160, %ne3A_153 : vector<5000x1xi1>
    %add3A_162 = vector.broadcast %select_n3A_148 : i32 to vector<5000x1xi32>
    %add3A_163 = arith.addi %rem3A_150, %add3A_162 : vector<5000x1xi32>
    %select_n3A_164 = arith.select %and3A_161, %add3A_163, %rem3A_150 : vector<5000x1xi1>, vector<5000x1xi32>
    %add3A_165 = arith.addi %mul3A_143, %select_n3A_164 : vector<5000x1xi32>
    %mul3A_166 = arith.constant 5120 : i32
    %mul3A_167 = arith.muli %mul3A_166, %arg0 : i32
    %add3A_168 = vector.broadcast %mul3A_167 : i32 to vector<5000x1xi32>
    %add3A_169 = arith.addi %add3A_165, %add3A_168 : vector<5000x1xi32>
    %swap3A = arith.constant 0 : index
    %swap3A_170 = arith.constant 0 : index
    %swap3A_171 = arith.constant 0 : index
    %swap3A_172 = vector.load %arg3[%swap3A, %swap3A_170, %swap3A_171] : memref<1x5000x1xi32, #tpu.memory_space<vmem>>, vector<1x5000x1xi32>
    %swap3A_173 = vector.shape_cast %swap3A_172 : vector<1x5000x1xi32> to vector<5000x1xi32>
    %swap3A_174 = vector.shape_cast %add3A_169 : vector<5000x1xi32> to vector<1x5000x1xi32>
    tpu.vector_store %arg3[%swap3A, %swap3A_170, %swap3A_171], %swap3A_174 {strides = array<i32>} : memref<1x5000x1xi32, #tpu.memory_space<vmem>>, vector<1x5000x1xi32>,
    %iota3A_175 = tpu.iota {dimensions = array<i32: 0>} : vector<5120x1xi32>
    %convert_element_type3A_176 = arith.sitofp %iota3A_175 : vector<5120x1xi32> to vector<5120x1xf32>
    %broadcast_in_dim3A_177 = arith.constant 0.000000e+00 : f32
    %broadcast_in_dim3A_178 = vector.broadcast %broadcast_in_dim3A_177 : f32 to vector<120x32xf32>
    %concatenate3A_179 = tpu.concatenate %get3A_3, %broadcast_in_dim3A_178 in 0 : vector<5000x32xf32>, vector<120x32xf32> -> vector<5120x32xf32>
    %broadcast_in_dim3A_180 = arith.constant 0.000000e+00 : f32
    %broadcast_in_dim3A_181 = vector.broadcast %broadcast_in_dim3A_180 : f32 to vector<5120x95xf32>
    %concatenate3A_182 = tpu.concatenate %concatenate3A_179, %convert_element_type3A_176, %broadcast_in_dim3A_181 in 1 : vector<5120x32xf32>, vector<5120x1xf32>, vector<5120x95xf32> -> vector<5120x128xf32>
    %swap3A_183 = arith.constant 0 : index
    %swap3A_184 = arith.constant 0 : index
    %swap3A_185 = vector.load %arg4[%swap3A_183, %swap3A_184] : memref<5120x128xf32, #tpu.memory_space<vmem>>, vector<5120x128xf32>
    tpu.vector_store %arg4[%swap3A_183, %swap3A_184], %concatenate3A_182 {strides = array<i32>} : memref<5120x128xf32, #tpu.memory_space<vmem>>, vector<5120x128xf32>,
    return
  }
  func.func @transform_0(%arg0: i32) -> (i32, i32, i32) {
    %c0_i32 = arith.constant 0 : i32
    %c0_i32_0 = arith.constant 0 : i32
    %c0_i32_1 = arith.constant 0 : i32
    return %arg0, %c0_i32, %c0_i32_0 : i32, i32, i32
  }
  func.func @transform_1(%arg0: i32) -> (i32, i32, i32) {
    %c0_i32 = arith.constant 0 : i32
    %c0_i32_0 = arith.constant 0 : i32
    %c0_i32_1 = arith.constant 0 : i32
    return %arg0, %c0_i32, %c0_i32_0 : i32, i32, i32
  }
  func.func @transform_2(%arg0: i32) -> (i32, i32, i32) {
    %c0_i32 = arith.constant 0 : i32
    %c0_i32_0 = arith.constant 0 : i32
    %c0_i32_1 = arith.constant 0 : i32
    return %arg0, %c0_i32, %c0_i32_0 : i32, i32, i32
  }
  func.func @transform_3(%arg0: i32) -> (i32, i32) {
    %c0_i32 = arith.constant 0 : i32
    %c0_i32_0 = arith.constant 0 : i32
    return %arg0, %c0_i32 : i32, i32
  }
}

module attributes {stable_mosaic.version = 14 : i64} {
  func.func @_k3_body(%arg0: i32, %arg1: i32, %arg2: memref<1x512x128xf32, #tpu.memory_space<vmem>>, %arg3: memref<1x512x128xf32, #tpu.memory_space<vmem>>, %arg4: memref<1x1x1x512xi32, #tpu.memory_space<vmem>>) attributes {dimension_semantics = [#tpu.dimension_semantics<arbitrary>, #tpu.dimension_semantics<arbitrary>], iteration_bounds = array<i64: 2, 10>, scalar_prefetch = 0 : i64, scratch_operands = 0 : i64, tpu.core_type = #tpu.core_type<tc>, window_params = [{transform_indices = @transform_0, window_bounds = array<i64: 1, 512, 128>}, {transform_indices = @transform_1, window_bounds = array<i64: 1, 512, 128>}, {transform_indices = @transform_2, window_bounds = array<i64: 1, 1, 1, 512>}]} {
    %get3A = arith.constant 0 : index
    %get3A_0 = arith.constant 0 : index
    %get3A_1 = arith.constant 0 : index
    %get3A_2 = vector.load %arg2[%get3A, %get3A_0, %get3A_1] : memref<1x512x128xf32, #tpu.memory_space<vmem>>, vector<1x512x128xf32>
    %get3A_3 = vector.shape_cast %get3A_2 : vector<1x512x128xf32> to vector<512x128xf32>
    %slice3A = vector.extract_strided_slice %get3A_3 {offsets = [0, 0], sizes = [512, 32], strides = [1, 1]} : vector<512x128xf32> to vector<512x32xf32>
    %slice3A_4 = vector.extract_strided_slice %get3A_3 {offsets = [0, 32], sizes = [512, 1], strides = [1, 1]} : vector<512x128xf32> to vector<512x1xf32>
    %dot_general3A = arith.constant dense<0.000000e+00> : vector<512x512xf32>
    %dot_general3A_5 = tpu.matmul %slice3A, %slice3A, %dot_general3A {dimension_numbers = #tpu.dot_dimension_numbers<[1], [1], [0], [0], [0, 0, 1, 0], [], []>, transpose_lhs_hint = false} : vector<512x32xf32>, vector<512x32xf32>, vector<512x512xf32> -> vector<512x512xf32>
    %mul3A = arith.mulf %slice3A, %slice3A : vector<512x32xf32>
    %reduce_sum3A = arith.constant dense<0.000000e+00> : vector<512xf32>
    %reduce_sum3A_6 = vector.multi_reduction <add>, %mul3A, %reduce_sum3A [1] : vector<512x32xf32> to vector<512xf32>
    %broadcast_in_dim3A = vector.shape_cast %reduce_sum3A_6 : vector<512xf32> to vector<512x1xf32>
    %iota3A = tpu.iota {dimensions = array<i32: 0>} : vector<512x512xi32>
    %iota3A_7 = tpu.iota {dimensions = array<i32: 1>} : vector<512x512xi32>
    %eq3A = arith.cmpi eq, %iota3A, %iota3A_7 : vector<512x512xi32>
    %jit3A = arith.constant 1.000000e+00 : f32
    %jit3A_8 = arith.constant 0.000000e+00 : f32
    %broadcast_in_dim3A_9 = vector.broadcast %jit3A : f32 to vector<512x512xf32>
    %broadcast_in_dim3A_10 = vector.broadcast %jit3A_8 : f32 to vector<512x512xf32>
    %select_n3A = arith.select %eq3A, %broadcast_in_dim3A_9, %broadcast_in_dim3A_10 : vector<512x512xi1>, vector<512x512xf32>
    %mul3A_11 = vector.broadcast %broadcast_in_dim3A : vector<512x1xf32> to vector<512x512xf32>
    %mul3A_12 = arith.mulf %select_n3A, %mul3A_11 : vector<512x512xf32>
    %reduce_sum3A_13 = arith.constant dense<0.000000e+00> : vector<512xf32>
    %reduce_sum3A_14 = vector.multi_reduction <add>, %mul3A_12, %reduce_sum3A_13 [0] : vector<512x512xf32> to vector<512xf32>
    %broadcast_in_dim3A_15 = vector.shape_cast %reduce_sum3A_14 : vector<512xf32> to vector<1x512xf32>
    %mul3A_16 = vector.broadcast %slice3A_4 : vector<512x1xf32> to vector<512x512xf32>
    %mul3A_17 = arith.mulf %select_n3A, %mul3A_16 : vector<512x512xf32>
    %reduce_sum3A_18 = arith.constant dense<0.000000e+00> : vector<512xf32>
    %reduce_sum3A_19 = vector.multi_reduction <add>, %mul3A_17, %reduce_sum3A_18 [0] : vector<512x512xf32> to vector<512xf32>
    %broadcast_in_dim3A_20 = vector.shape_cast %reduce_sum3A_19 : vector<512xf32> to vector<1x512xf32>
    %iota3A_21 = tpu.iota {dimensions = array<i32: 1>} : vector<512x512xi32>
    %mul3A_22 = arith.constant 2.000000e+00 : f32
    %mul3A_23 = vector.broadcast %mul3A_22 : f32 to vector<512x512xf32>
    %mul3A_24 = arith.mulf %mul3A_23, %dot_general3A_5 : vector<512x512xf32>
    %sub3A = vector.broadcast %broadcast_in_dim3A : vector<512x1xf32> to vector<512x512xf32>
    %sub3A_25 = arith.subf %sub3A, %mul3A_24 : vector<512x512xf32>
    %add3A = vector.broadcast %broadcast_in_dim3A_15 : vector<1x512xf32> to vector<512x512xf32>
    %add3A_26 = arith.addf %sub3A_25, %add3A : vector<512x512xf32>
    %max3A = arith.constant 9.99999997E-7 : f32
    %max3A_27 = vector.broadcast %max3A : f32 to vector<512x512xf32>
    %max3A_28 = arith.maximumf %add3A_26, %max3A_27 : vector<512x512xf32>
    %lt3A = arith.constant 500 : i32
    %lt3A_29 = vector.broadcast %lt3A : i32 to vector<512x512xi32>
    %lt3A_30 = arith.cmpi slt, %iota3A_21, %lt3A_29 : vector<512x512xi32>
    %jit3A_31 = arith.constant 3.000000e+38 : f32
    %broadcast_in_dim3A_32 = vector.broadcast %jit3A_31 : f32 to vector<512x512xf32>
    %select_n3A_33 = arith.select %lt3A_30, %max3A_28, %broadcast_in_dim3A_32 : vector<512x512xi1>, vector<512x512xf32>
    %broadcast_in_dim3A_34 = vector.shape_cast %broadcast_in_dim3A_20 : vector<1x512xf32> to vector<1x512xf32>
    %broadcast_in_dim3A_35 = vector.broadcast %broadcast_in_dim3A_34 : vector<1x512xf32> to vector<512x512xf32>
    %reduce_min3A = arith.constant dense<0x7F800000> : vector<512xf32>
    %reduce_min3A_36 = vector.multi_reduction <minimumf>, %select_n3A_33, %reduce_min3A [1] : vector<512x512xf32> to vector<512xf32>
    %broadcast_in_dim3A_37 = vector.shape_cast %reduce_min3A_36 : vector<512xf32> to vector<512x1xf32>
    %eq3A_38 = vector.broadcast %broadcast_in_dim3A_37 : vector<512x1xf32> to vector<512x512xf32>
    %eq3A_39 = arith.cmpf oeq, %select_n3A_33, %eq3A_38 : vector<512x512xf32>
    %jit3A_40 = arith.constant 1000000000 : i32
    %broadcast_in_dim3A_41 = vector.broadcast %jit3A_40 : i32 to vector<512x512xi32>
    %select_n3A_42 = arith.select %eq3A_39, %iota3A_21, %broadcast_in_dim3A_41 : vector<512x512xi1>, vector<512x512xi32>
    %reduce_min3A_43 = arith.constant dense<2147483647> : vector<512xi32>
    %reduce_min3A_44 = vector.multi_reduction <minsi>, %select_n3A_42, %reduce_min3A_43 [1] : vector<512x512xi32> to vector<512xi32>
    %broadcast_in_dim3A_45 = vector.shape_cast %reduce_min3A_44 : vector<512xi32> to vector<512x1xi32>
    %eq3A_46 = vector.broadcast %broadcast_in_dim3A_45 : vector<512x1xi32> to vector<512x512xi32>
    %eq3A_47 = arith.cmpi eq, %iota3A_21, %eq3A_46 : vector<512x512xi32>
    %jit3A_48 = arith.constant 0.000000e+00 : f32
    %broadcast_in_dim3A_49 = vector.broadcast %jit3A_48 : f32 to vector<512x512xf32>
    %select_n3A_50 = arith.select %eq3A_47, %broadcast_in_dim3A_35, %broadcast_in_dim3A_49 : vector<512x512xi1>, vector<512x512xf32>
    %reduce_sum3A_51 = arith.constant dense<0.000000e+00> : vector<512xf32>
    %reduce_sum3A_52 = vector.multi_reduction <add>, %select_n3A_50, %reduce_sum3A_51 [1] : vector<512x512xf32> to vector<512xf32>
    %broadcast_in_dim3A_53 = vector.shape_cast %reduce_sum3A_52 : vector<512xf32> to vector<512x1xf32>
    %jit3A_54 = arith.constant 3.400000e+38 : f32
    %broadcast_in_dim3A_55 = vector.broadcast %jit3A_54 : f32 to vector<512x512xf32>
    %select_n3A_56 = arith.select %eq3A_47, %broadcast_in_dim3A_55, %select_n3A_33 : vector<512x512xi1>, vector<512x512xf32>
    %reduce_min3A_57 = arith.constant dense<0x7F800000> : vector<512xf32>
    %reduce_min3A_58 = vector.multi_reduction <minimumf>, %select_n3A_56, %reduce_min3A_57 [1] : vector<512x512xf32> to vector<512xf32>
    %broadcast_in_dim3A_59 = vector.shape_cast %reduce_min3A_58 : vector<512xf32> to vector<512x1xf32>
    %eq3A_60 = vector.broadcast %broadcast_in_dim3A_59 : vector<512x1xf32> to vector<512x512xf32>
    %eq3A_61 = arith.cmpf oeq, %select_n3A_56, %eq3A_60 : vector<512x512xf32>
    %jit3A_62 = arith.constant 1000000000 : i32
    %broadcast_in_dim3A_63 = vector.broadcast %jit3A_62 : i32 to vector<512x512xi32>
    %select_n3A_64 = arith.select %eq3A_61, %iota3A_21, %broadcast_in_dim3A_63 : vector<512x512xi1>, vector<512x512xi32>
    %reduce_min3A_65 = arith.constant dense<2147483647> : vector<512xi32>
    %reduce_min3A_66 = vector.multi_reduction <minsi>, %select_n3A_64, %reduce_min3A_65 [1] : vector<512x512xi32> to vector<512xi32>
    %broadcast_in_dim3A_67 = vector.shape_cast %reduce_min3A_66 : vector<512xi32> to vector<512x1xi32>
    %eq3A_68 = vector.broadcast %broadcast_in_dim3A_67 : vector<512x1xi32> to vector<512x512xi32>
    %eq3A_69 = arith.cmpi eq, %iota3A_21, %eq3A_68 : vector<512x512xi32>
    %jit3A_70 = arith.constant 0.000000e+00 : f32
    %broadcast_in_dim3A_71 = vector.broadcast %jit3A_70 : f32 to vector<512x512xf32>
    %select_n3A_72 = arith.select %eq3A_69, %broadcast_in_dim3A_35, %broadcast_in_dim3A_71 : vector<512x512xi1>, vector<512x512xf32>
    %reduce_sum3A_73 = arith.constant dense<0.000000e+00> : vector<512xf32>
    %reduce_sum3A_74 = vector.multi_reduction <add>, %select_n3A_72, %reduce_sum3A_73 [1] : vector<512x512xf32> to vector<512xf32>
    %broadcast_in_dim3A_75 = vector.shape_cast %reduce_sum3A_74 : vector<512xf32> to vector<512x1xf32>
    %jit3A_76 = arith.constant 3.400000e+38 : f32
    %broadcast_in_dim3A_77 = vector.broadcast %jit3A_76 : f32 to vector<512x512xf32>
    %select_n3A_78 = arith.select %eq3A_69, %broadcast_in_dim3A_77, %select_n3A_56 : vector<512x512xi1>, vector<512x512xf32>
    %reduce_min3A_79 = arith.constant dense<0x7F800000> : vector<512xf32>
    %reduce_min3A_80 = vector.multi_reduction <minimumf>, %select_n3A_78, %reduce_min3A_79 [1] : vector<512x512xf32> to vector<512xf32>
    %broadcast_in_dim3A_81 = vector.shape_cast %reduce_min3A_80 : vector<512xf32> to vector<512x1xf32>
    %eq3A_82 = vector.broadcast %broadcast_in_dim3A_81 : vector<512x1xf32> to vector<512x512xf32>
    %eq3A_83 = arith.cmpf oeq, %select_n3A_78, %eq3A_82 : vector<512x512xf32>
    %jit3A_84 = arith.constant 1000000000 : i32
    %broadcast_in_dim3A_85 = vector.broadcast %jit3A_84 : i32 to vector<512x512xi32>
    %select_n3A_86 = arith.select %eq3A_83, %iota3A_21, %broadcast_in_dim3A_85 : vector<512x512xi1>, vector<512x512xi32>
    %reduce_min3A_87 = arith.constant dense<2147483647> : vector<512xi32>
    %reduce_min3A_88 = vector.multi_reduction <minsi>, %select_n3A_86, %reduce_min3A_87 [1] : vector<512x512xi32> to vector<512xi32>
    %broadcast_in_dim3A_89 = vector.shape_cast %reduce_min3A_88 : vector<512xi32> to vector<512x1xi32>
    %eq3A_90 = vector.broadcast %broadcast_in_dim3A_89 : vector<512x1xi32> to vector<512x512xi32>
    %eq3A_91 = arith.cmpi eq, %iota3A_21, %eq3A_90 : vector<512x512xi32>
    %jit3A_92 = arith.constant 0.000000e+00 : f32
    %broadcast_in_dim3A_93 = vector.broadcast %jit3A_92 : f32 to vector<512x512xf32>
    %select_n3A_94 = arith.select %eq3A_91, %broadcast_in_dim3A_35, %broadcast_in_dim3A_93 : vector<512x512xi1>, vector<512x512xf32>
    %reduce_sum3A_95 = arith.constant dense<0.000000e+00> : vector<512xf32>
    %reduce_sum3A_96 = vector.multi_reduction <add>, %select_n3A_94, %reduce_sum3A_95 [1] : vector<512x512xf32> to vector<512xf32>
    %broadcast_in_dim3A_97 = vector.shape_cast %reduce_sum3A_96 : vector<512xf32> to vector<512x1xf32>
    %jit3A_98 = arith.constant 3.400000e+38 : f32
    %broadcast_in_dim3A_99 = vector.broadcast %jit3A_98 : f32 to vector<512x512xf32>
    %select_n3A_100 = arith.select %eq3A_91, %broadcast_in_dim3A_99, %select_n3A_78 : vector<512x512xi1>, vector<512x512xf32>
    %reduce_min3A_101 = arith.constant dense<0x7F800000> : vector<512xf32>
    %reduce_min3A_102 = vector.multi_reduction <minimumf>, %select_n3A_100, %reduce_min3A_101 [1] : vector<512x512xf32> to vector<512xf32>
    %broadcast_in_dim3A_103 = vector.shape_cast %reduce_min3A_102 : vector<512xf32> to vector<512x1xf32>
    %eq3A_104 = vector.broadcast %broadcast_in_dim3A_103 : vector<512x1xf32> to vector<512x512xf32>
    %eq3A_105 = arith.cmpf oeq, %select_n3A_100, %eq3A_104 : vector<512x512xf32>
    %jit3A_106 = arith.constant 1000000000 : i32
    %broadcast_in_dim3A_107 = vector.broadcast %jit3A_106 : i32 to vector<512x512xi32>
    %select_n3A_108 = arith.select %eq3A_105, %iota3A_21, %broadcast_in_dim3A_107 : vector<512x512xi1>, vector<512x512xi32>
    %reduce_min3A_109 = arith.constant dense<2147483647> : vector<512xi32>
    %reduce_min3A_110 = vector.multi_reduction <minsi>, %select_n3A_108, %reduce_min3A_109 [1] : vector<512x512xi32> to vector<512xi32>
    %broadcast_in_dim3A_111 = vector.shape_cast %reduce_min3A_110 : vector<512xi32> to vector<512x1xi32>
    %eq3A_112 = vector.broadcast %broadcast_in_dim3A_111 : vector<512x1xi32> to vector<512x512xi32>
    %eq3A_113 = arith.cmpi eq, %iota3A_21, %eq3A_112 : vector<512x512xi32>
    %jit3A_114 = arith.constant 0.000000e+00 : f32
    %broadcast_in_dim3A_115 = vector.broadcast %jit3A_114 : f32 to vector<512x512xf32>
    %select_n3A_116 = arith.select %eq3A_113, %broadcast_in_dim3A_35, %broadcast_in_dim3A_115 : vector<512x512xi1>, vector<512x512xf32>
    %reduce_sum3A_117 = arith.constant dense<0.000000e+00> : vector<512xf32>
    %reduce_sum3A_118 = vector.multi_reduction <add>, %select_n3A_116, %reduce_sum3A_117 [1] : vector<512x512xf32> to vector<512xf32>
    %broadcast_in_dim3A_119 = vector.shape_cast %reduce_sum3A_118 : vector<512xf32> to vector<512x1xf32>
    %jit3A_120 = arith.constant 3.400000e+38 : f32
    %broadcast_in_dim3A_121 = vector.broadcast %jit3A_120 : f32 to vector<512x512xf32>
    %select_n3A_122 = arith.select %eq3A_113, %broadcast_in_dim3A_121, %select_n3A_100 : vector<512x512xi1>, vector<512x512xf32>
    %reduce_min3A_123 = arith.constant dense<0x7F800000> : vector<512xf32>
    %reduce_min3A_124 = vector.multi_reduction <minimumf>, %select_n3A_122, %reduce_min3A_123 [1] : vector<512x512xf32> to vector<512xf32>
    %broadcast_in_dim3A_125 = vector.shape_cast %reduce_min3A_124 : vector<512xf32> to vector<512x1xf32>
    %eq3A_126 = vector.broadcast %broadcast_in_dim3A_125 : vector<512x1xf32> to vector<512x512xf32>
    %eq3A_127 = arith.cmpf oeq, %select_n3A_122, %eq3A_126 : vector<512x512xf32>
    %jit3A_128 = arith.constant 1000000000 : i32
    %broadcast_in_dim3A_129 = vector.broadcast %jit3A_128 : i32 to vector<512x512xi32>
    %select_n3A_130 = arith.select %eq3A_127, %iota3A_21, %broadcast_in_dim3A_129 : vector<512x512xi1>, vector<512x512xi32>
    %reduce_min3A_131 = arith.constant dense<2147483647> : vector<512xi32>
    %reduce_min3A_132 = vector.multi_reduction <minsi>, %select_n3A_130, %reduce_min3A_131 [1] : vector<512x512xi32> to vector<512xi32>
    %broadcast_in_dim3A_133 = vector.shape_cast %reduce_min3A_132 : vector<512xi32> to vector<512x1xi32>
    %eq3A_134 = vector.broadcast %broadcast_in_dim3A_133 : vector<512x1xi32> to vector<512x512xi32>
    %eq3A_135 = arith.cmpi eq, %iota3A_21, %eq3A_134 : vector<512x512xi32>
    %jit3A_136 = arith.constant 0.000000e+00 : f32
    %broadcast_in_dim3A_137 = vector.broadcast %jit3A_136 : f32 to vector<512x512xf32>
    %select_n3A_138 = arith.select %eq3A_135, %broadcast_in_dim3A_35, %broadcast_in_dim3A_137 : vector<512x512xi1>, vector<512x512xf32>
    %reduce_sum3A_139 = arith.constant dense<0.000000e+00> : vector<512xf32>
    %reduce_sum3A_140 = vector.multi_reduction <add>, %select_n3A_138, %reduce_sum3A_139 [1] : vector<512x512xf32> to vector<512xf32>
    %broadcast_in_dim3A_141 = vector.shape_cast %reduce_sum3A_140 : vector<512xf32> to vector<512x1xf32>
    %concatenate3A = tpu.concatenate %broadcast_in_dim3A_37, %broadcast_in_dim3A_59, %broadcast_in_dim3A_81, %broadcast_in_dim3A_103, %broadcast_in_dim3A_125 in 1 : vector<512x1xf32>, vector<512x1xf32>, vector<512x1xf32>, vector<512x1xf32>, vector<512x1xf32> -> vector<512x5xf32>
    %sqrt3A = math.sqrt %concatenate3A : vector<512x5xf32>
    %mul3A_142 = arith.constant -1.000000e-01 : f32
    %mul3A_143 = vector.broadcast %mul3A_142 : f32 to vector<512x5xf32>
    %mul3A_144 = arith.mulf %mul3A_143, %sqrt3A : vector<512x5xf32>
    %exp3A = math.exp %mul3A_144 : vector<512x5xf32>
    %concatenate3A_145 = tpu.concatenate %broadcast_in_dim3A_53, %broadcast_in_dim3A_75, %broadcast_in_dim3A_97, %broadcast_in_dim3A_119, %broadcast_in_dim3A_141 in 1 : vector<512x1xf32>, vector<512x1xf32>, vector<512x1xf32>, vector<512x1xf32>, vector<512x1xf32> -> vector<512x5xf32>
    %broadcast_in_dim3A_146 = arith.constant 0.000000e+00 : f32
    %broadcast_in_dim3A_147 = vector.broadcast %broadcast_in_dim3A_146 : f32 to vector<512x118xf32>
    %concatenate3A_148 = tpu.concatenate %exp3A, %concatenate3A_145, %broadcast_in_dim3A_147 in 1 : vector<512x5xf32>, vector<512x5xf32>, vector<512x118xf32> -> vector<512x128xf32>
    %swap3A = arith.constant 0 : index
    %swap3A_149 = arith.constant 0 : index
    %swap3A_150 = arith.constant 0 : index
    %swap3A_151 = vector.load %arg3[%swap3A, %swap3A_149, %swap3A_150] : memref<1x512x128xf32, #tpu.memory_space<vmem>>, vector<1x512x128xf32>
    %swap3A_152 = vector.shape_cast %swap3A_151 : vector<1x512x128xf32> to vector<512x128xf32>
    %swap3A_153 = vector.shape_cast %concatenate3A_148 : vector<512x128xf32> to vector<1x512x128xf32>
    tpu.vector_store %arg3[%swap3A, %swap3A_149, %swap3A_150], %swap3A_153 {strides = array<i32>} : memref<1x512x128xf32, #tpu.memory_space<vmem>>, vector<1x512x128xf32>,
    %iota3A_154 = tpu.iota {dimensions = array<i32: 1>} : vector<1x512xi32>
    %lt3A_155 = arith.constant 500 : i32
    %lt3A_156 = vector.broadcast %lt3A_155 : i32 to vector<1x512xi32>
    %lt3A_157 = arith.cmpi slt, %iota3A_154, %lt3A_156 : vector<1x512xi32>
    %convert_element_type3A = arith.fptosi %broadcast_in_dim3A_20 : vector<1x512xf32> to vector<1x512xi32>
    %mul3A_158 = arith.constant 12 : i32
    %mul3A_159 = arith.muli %mul3A_158, %arg1 : i32
    %add3A_160 = arith.constant 5000 : i32
    %add3A_161 = arith.addi %add3A_160, %mul3A_159 : i32
    %sub3A_162 = arith.constant 500 : i32
    %sub3A_163 = vector.broadcast %sub3A_162 : i32 to vector<1x512xi32>
    %sub3A_164 = arith.subi %iota3A_154, %sub3A_163 : vector<1x512xi32>
    %add3A_165 = vector.broadcast %add3A_161 : i32 to vector<1x512xi32>
    %add3A_166 = arith.addi %add3A_165, %sub3A_164 : vector<1x512xi32>
    %select_n3A_167 = arith.select %lt3A_157, %convert_element_type3A, %add3A_166 : vector<1x512xi1>, vector<1x512xi32>
    %mul3A_168 = arith.constant 5120 : i32
    %mul3A_169 = arith.muli %mul3A_168, %arg0 : i32
    %add3A_170 = vector.broadcast %mul3A_169 : i32 to vector<1x512xi32>
    %add3A_171 = arith.addi %select_n3A_167, %add3A_170 : vector<1x512xi32>
    %swap3A_172 = arith.constant 0 : index
    %swap3A_173 = arith.constant 0 : index
    %swap3A_174 = arith.constant 0 : index
    %swap3A_175 = arith.constant 0 : index
    %swap3A_176 = vector.load %arg4[%swap3A_172, %swap3A_173, %swap3A_174, %swap3A_175] : memref<1x1x1x512xi32, #tpu.memory_space<vmem>>, vector<1x1x1x512xi32>
    %swap3A_177 = vector.shape_cast %swap3A_176 : vector<1x1x1x512xi32> to vector<1x512xi32>
    %swap3A_178 = vector.shape_cast %add3A_171 : vector<1x512xi32> to vector<1x1x1x512xi32>
    tpu.vector_store %arg4[%swap3A_172, %swap3A_173, %swap3A_174, %swap3A_175], %swap3A_178 {strides = array<i32>} : memref<1x1x1x512xi32, #tpu.memory_space<vmem>>, vector<1x1x1x512xi32>,
    return
  }
  func.func @transform_0(%arg0: i32, %arg1: i32) -> (i32, i32, i32) {
    %c0_i32 = arith.constant 0 : i32
    %c0_i32_0 = arith.constant 0 : i32
    return %arg0, %arg1, %c0_i32 : i32, i32, i32
  }
  func.func @transform_1(%arg0: i32, %arg1: i32) -> (i32, i32, i32) {
    %c0_i32 = arith.constant 0 : i32
    %c0_i32_0 = arith.constant 0 : i32
    return %arg0, %arg1, %c0_i32 : i32, i32, i32
  }
  func.func @transform_2(%arg0: i32, %arg1: i32) -> (i32, i32, i32, i32) {
    %c0_i32 = arith.constant 0 : i32
    %c0_i32_0 = arith.constant 0 : i32
    %c0_i32_1 = arith.constant 0 : i32
    return %arg0, %arg1, %c0_i32, %c0_i32_0 : i32, i32, i32, i32
  }
}

module attributes {stable_mosaic.version = 14 : i64} {
  func.func @_e_body(%arg0: i32, %arg1: i32, %arg2: memref<1x200x128xf32, #tpu.memory_space<vmem>>, %arg3: memref<1x200x5000xf32, #tpu.memory_space<vmem>>) attributes {dimension_semantics = [#tpu.dimension_semantics<parallel>, #tpu.dimension_semantics<parallel>], iteration_bounds = array<i64: 2, 25>, scalar_prefetch = 0 : i64, scratch_operands = 0 : i64, tpu.core_type = #tpu.core_type<tc>, window_params = [{transform_indices = @transform_0, window_bounds = array<i64: 1, 200, 128>}, {transform_indices = @transform_1, window_bounds = array<i64: 1, 200, 5000>}]} {
    %get3A = arith.constant 0 : index
    %get3A_0 = arith.constant 0 : index
    %get3A_1 = arith.constant 0 : index
    %get3A_2 = vector.load %arg2[%get3A, %get3A_0, %get3A_1] : memref<1x200x128xf32, #tpu.memory_space<vmem>>, vector<1x200x128xf32>
    %get3A_3 = vector.shape_cast %get3A_2 : vector<1x200x128xf32> to vector<200x128xf32>
    %iota3A = tpu.iota {dimensions = array<i32: 1>} : vector<200x5000xi32>
    %broadcast_in_dim3A = arith.constant 0.000000e+00 : f32
    %broadcast_in_dim3A_4 = vector.broadcast %broadcast_in_dim3A : f32 to vector<200x5000xf32>
    %slice3A = vector.extract_strided_slice %get3A_3 {offsets = [0, 0], sizes = [200, 1], strides = [1, 1]} : vector<200x128xf32> to vector<200x1xf32>
    %slice3A_5 = vector.extract_strided_slice %get3A_3 {offsets = [0, 5], sizes = [200, 1], strides = [1, 1]} : vector<200x128xf32> to vector<200x1xf32>
    %convert_element_type3A = arith.fptosi %slice3A_5 : vector<200x1xf32> to vector<200x1xi32>
    %eq3A = vector.broadcast %convert_element_type3A : vector<200x1xi32> to vector<200x5000xi32>
    %eq3A_6 = arith.cmpi eq, %iota3A, %eq3A : vector<200x5000xi32>
    %jit3A = arith.constant 0.000000e+00 : f32
    %broadcast_in_dim3A_7 = vector.shape_cast %slice3A : vector<200x1xf32> to vector<200x1xf32>
    %broadcast_in_dim3A_8 = vector.broadcast %broadcast_in_dim3A_7 : vector<200x1xf32> to vector<200x5000xf32>
    %broadcast_in_dim3A_9 = vector.broadcast %jit3A : f32 to vector<200x5000xf32>
    %select_n3A = arith.select %eq3A_6, %broadcast_in_dim3A_8, %broadcast_in_dim3A_9 : vector<200x5000xi1>, vector<200x5000xf32>
    %add3A = arith.addf %broadcast_in_dim3A_4, %select_n3A : vector<200x5000xf32>
    %slice3A_10 = vector.extract_strided_slice %get3A_3 {offsets = [0, 1], sizes = [200, 1], strides = [1, 1]} : vector<200x128xf32> to vector<200x1xf32>
    %slice3A_11 = vector.extract_strided_slice %get3A_3 {offsets = [0, 6], sizes = [200, 1], strides = [1, 1]} : vector<200x128xf32> to vector<200x1xf32>
    %convert_element_type3A_12 = arith.fptosi %slice3A_11 : vector<200x1xf32> to vector<200x1xi32>
    %eq3A_13 = vector.broadcast %convert_element_type3A_12 : vector<200x1xi32> to vector<200x5000xi32>
    %eq3A_14 = arith.cmpi eq, %iota3A, %eq3A_13 : vector<200x5000xi32>
    %jit3A_15 = arith.constant 0.000000e+00 : f32
    %broadcast_in_dim3A_16 = vector.shape_cast %slice3A_10 : vector<200x1xf32> to vector<200x1xf32>
    %broadcast_in_dim3A_17 = vector.broadcast %broadcast_in_dim3A_16 : vector<200x1xf32> to vector<200x5000xf32>
    %broadcast_in_dim3A_18 = vector.broadcast %jit3A_15 : f32 to vector<200x5000xf32>
    %select_n3A_19 = arith.select %eq3A_14, %broadcast_in_dim3A_17, %broadcast_in_dim3A_18 : vector<200x5000xi1>, vector<200x5000xf32>
    %add3A_20 = arith.addf %add3A, %select_n3A_19 : vector<200x5000xf32>
    %slice3A_21 = vector.extract_strided_slice %get3A_3 {offsets = [0, 2], sizes = [200, 1], strides = [1, 1]} : vector<200x128xf32> to vector<200x1xf32>
    %slice3A_22 = vector.extract_strided_slice %get3A_3 {offsets = [0, 7], sizes = [200, 1], strides = [1, 1]} : vector<200x128xf32> to vector<200x1xf32>
    %convert_element_type3A_23 = arith.fptosi %slice3A_22 : vector<200x1xf32> to vector<200x1xi32>
    %eq3A_24 = vector.broadcast %convert_element_type3A_23 : vector<200x1xi32> to vector<200x5000xi32>
    %eq3A_25 = arith.cmpi eq, %iota3A, %eq3A_24 : vector<200x5000xi32>
    %jit3A_26 = arith.constant 0.000000e+00 : f32
    %broadcast_in_dim3A_27 = vector.shape_cast %slice3A_21 : vector<200x1xf32> to vector<200x1xf32>
    %broadcast_in_dim3A_28 = vector.broadcast %broadcast_in_dim3A_27 : vector<200x1xf32> to vector<200x5000xf32>
    %broadcast_in_dim3A_29 = vector.broadcast %jit3A_26 : f32 to vector<200x5000xf32>
    %select_n3A_30 = arith.select %eq3A_25, %broadcast_in_dim3A_28, %broadcast_in_dim3A_29 : vector<200x5000xi1>, vector<200x5000xf32>
    %add3A_31 = arith.addf %add3A_20, %select_n3A_30 : vector<200x5000xf32>
    %slice3A_32 = vector.extract_strided_slice %get3A_3 {offsets = [0, 3], sizes = [200, 1], strides = [1, 1]} : vector<200x128xf32> to vector<200x1xf32>
    %slice3A_33 = vector.extract_strided_slice %get3A_3 {offsets = [0, 8], sizes = [200, 1], strides = [1, 1]} : vector<200x128xf32> to vector<200x1xf32>
    %convert_element_type3A_34 = arith.fptosi %slice3A_33 : vector<200x1xf32> to vector<200x1xi32>
    %eq3A_35 = vector.broadcast %convert_element_type3A_34 : vector<200x1xi32> to vector<200x5000xi32>
    %eq3A_36 = arith.cmpi eq, %iota3A, %eq3A_35 : vector<200x5000xi32>
    %jit3A_37 = arith.constant 0.000000e+00 : f32
    %broadcast_in_dim3A_38 = vector.shape_cast %slice3A_32 : vector<200x1xf32> to vector<200x1xf32>
    %broadcast_in_dim3A_39 = vector.broadcast %broadcast_in_dim3A_38 : vector<200x1xf32> to vector<200x5000xf32>
    %broadcast_in_dim3A_40 = vector.broadcast %jit3A_37 : f32 to vector<200x5000xf32>
    %select_n3A_41 = arith.select %eq3A_36, %broadcast_in_dim3A_39, %broadcast_in_dim3A_40 : vector<200x5000xi1>, vector<200x5000xf32>
    %add3A_42 = arith.addf %add3A_31, %select_n3A_41 : vector<200x5000xf32>
    %slice3A_43 = vector.extract_strided_slice %get3A_3 {offsets = [0, 4], sizes = [200, 1], strides = [1, 1]} : vector<200x128xf32> to vector<200x1xf32>
    %slice3A_44 = vector.extract_strided_slice %get3A_3 {offsets = [0, 9], sizes = [200, 1], strides = [1, 1]} : vector<200x128xf32> to vector<200x1xf32>
    %convert_element_type3A_45 = arith.fptosi %slice3A_44 : vector<200x1xf32> to vector<200x1xi32>
    %eq3A_46 = vector.broadcast %convert_element_type3A_45 : vector<200x1xi32> to vector<200x5000xi32>
    %eq3A_47 = arith.cmpi eq, %iota3A, %eq3A_46 : vector<200x5000xi32>
    %jit3A_48 = arith.constant 0.000000e+00 : f32
    %broadcast_in_dim3A_49 = vector.shape_cast %slice3A_43 : vector<200x1xf32> to vector<200x1xf32>
    %broadcast_in_dim3A_50 = vector.broadcast %broadcast_in_dim3A_49 : vector<200x1xf32> to vector<200x5000xf32>
    %broadcast_in_dim3A_51 = vector.broadcast %jit3A_48 : f32 to vector<200x5000xf32>
    %select_n3A_52 = arith.select %eq3A_47, %broadcast_in_dim3A_50, %broadcast_in_dim3A_51 : vector<200x5000xi1>, vector<200x5000xf32>
    %add3A_53 = arith.addf %add3A_42, %select_n3A_52 : vector<200x5000xf32>
    %swap3A = arith.constant 0 : index
    %swap3A_54 = arith.constant 0 : index
    %swap3A_55 = arith.constant 0 : index
    %swap3A_56 = vector.load %arg3[%swap3A, %swap3A_54, %swap3A_55] : memref<1x200x5000xf32, #tpu.memory_space<vmem>>, vector<1x200x5000xf32>
    %swap3A_57 = vector.shape_cast %swap3A_56 : vector<1x200x5000xf32> to vector<200x5000xf32>
    %swap3A_58 = vector.shape_cast %add3A_53 : vector<200x5000xf32> to vector<1x200x5000xf32>
    tpu.vector_store %arg3[%swap3A, %swap3A_54, %swap3A_55], %swap3A_58 {strides = array<i32>} : memref<1x200x5000xf32, #tpu.memory_space<vmem>>, vector<1x200x5000xf32>,
    return
  }
  func.func @transform_0(%arg0: i32, %arg1: i32) -> (i32, i32, i32) {
    %c0_i32 = arith.constant 0 : i32
    %c0_i32_0 = arith.constant 0 : i32
    return %arg0, %arg1, %c0_i32 : i32, i32, i32
  }
  func.func @transform_1(%arg0: i32, %arg1: i32) -> (i32, i32, i32) {
    %c0_i32 = arith.constant 0 : i32
    %c0_i32_0 = arith.constant 0 : i32
    return %arg0, %arg1, %c0_i32 : i32, i32, i32
  }
}

</mosaic_0001>

<sc_bundles>
// kernel: kernel.10.cloned.1.call-start
scs
__scs_entry_jumppad:
0x0: {  	(pc) =	sbr.rel $0x88, $3  }
0x1: {  	(tag) =	ssettag $0x0;
	lr =	simm.s32 $0x1  }
0x2: {  	[smem:$0x3F9F] =	sst lr;
	_ =	strace $0xD0000000  }
0x3: {  	_ = 	snop  }
0x4: {  	_ = 	snop  }
0x5: {  	_ = 	snop  }
0x6: {  	_ = 	snop  }
0x7: {  	_ = 	snop  }
__scs_overlays_trampoline_lowered:
0x8: {  	[smem:$0x3FAE] =	sst s0  }
0x9: {  	[smem:$0x3FAF] =	sst s1  }
0xa: {  	[smem:$0x3FB0] =	sst s2  }
0xb: {  	[smem:$0x3FB1] =	sst s3  }
0xc: {  	[smem:$0x3FB2] =	sst s4  }
0xd: {  	[smem:$0x3FB3] =	sst s5  }
0xe: {  	[smem:$0x3FB4] =	sst s6  }
0xf: {  	[smem:$0x3FB5] =	sst s7  }
0x10: {  	[smem:$0x3FB6] =	sst s8  }
0x11: {  	[smem:$0x3FB7] =	sst s9;
	s0 =	simm.s32 @!p0 $0x0  }
0x12: {  	s1 =	sld [smem:$0x3F9D];
	s0 =	simm.s32 @p0 $0x1  }
0x13: {  	[smem:$0x3FB8] =	sst s0;
	s0 =	simm.s32 @!p1 $0x0  }
0x14: {  	s2 =	sld [smem:$0x3F9C];
	s0 =	simm.s32 @p1 $0x1  }
0x15: {  	[smem:$0x3FB9] =	sst s0;
	s0 =	simm.s32 @!p2 $0x0  }
0x16: {  	s3 =	sld [smem:$0x3FDB];
	s0 =	simm.s32 @p2 $0x1  }
0x17: {  	s4 =	simm.s32 $0x1BF5;
	[smem:$0x3FBB] =	sst s0  }
0x18: {  	s0 =	sld [smem:$0x3F9E];
	_ =	swait.ge [sflag:s4], $0x0  }
0x19: {  	s7 =	sld [smem:$0x3F9F]  }
0x1a: {  	s8 =	sadd.s32 $0xFFFFE003, lr  }
0x1b: {  	s9 =	sadd.s32 $0xFFFFFEF7, lr;
	s5 =	simm.s32 $0xFFFFFFFF;
	p2 =	slt.u32 s8, $0xFFFFF086  }
0x1c: {  	p1 =	slt.u32 s9, $0xF7A;
	s5 =	simm.s32 @!p2 $0x0  }
0x1d: {  	s5 =	simm.s32 @p1 $0x1;
	p0 =	seq.s32 s7, s2  }
0x1e: {  	s7 =	smul.u32 @!p0 $0xF7A, s2;
	p2 =	seq.s32 @!p0 s5, $0x0  }
0x1f: {  	s9 =	smul.u32 $0xF7A, s1;
	s8 =	simm.s32 @!p0 $0x1BF5;
	p2 =	por !p2, p0  }
0x20: {  	[sflag:s8] =	ssyncset.s32 @!p0 $0xFFFFF086;
	s6 =	sadd.s32 @!p0 s3, s7;
	s7 =	simm.s32 @!p0 $0x108  }
0x21: {  	s3 =	sadd.s32 s3, s9;
	s6 =	sadd.s32 @!p0 $0x88, s6;
	s7 =	simm.s32 @p2 $0x1082  }
0x22: {  	[simem:s7], [sflag:s8] =	dma.local @!p0 [hbm:s6], $0xF7A  }
0x23: {  	s9 =	sor.u32 $0xD0000000, s2;
	s6 =	simm.s32 $0x108;
	_ =	swait.ge @!p0 [sflag:s8], $0x0  }
0x24: {  	s3 =	sadd.s32 $0x88, s3;
	s6 =	simm.s32 @!p1 $0x1082;
	[sflag:s4] =	ssyncset.s32 $0xFFFFF086  }
0x25: {  	[simem:s6], [sflag:s4] =	dma.local [hbm:s3], $0xF7A  }
0x26: {  	[smem:$0x3F9F] =	sst s1;
	(tag) =	ssettag s2;
	_ =	strace s9  }
0x27: {  	s1 =	sld [smem:$0x3FAF]  }
0x28: {  	s2 =	sld [smem:$0x3FB0]  }
0x29: {  	s4 =	sld [smem:$0x3FB2]  }
0x2a: {  	p0 =	seq.s32 s5, $0x0;
	s5 =	sld [smem:$0x3FB3]  }
0x2b: {  	s6 =	sld [smem:$0x3FB4]  }
0x2c: {  	s7 =	sld [smem:$0x3FB5]  }
0x2d: {  	s3 =	simm.s32 $0x108;
	s8 =	sld [smem:$0x3FB6]  }
0x2e: {  	s3 =	simm.s32 @!p0 $0x1082;
	s9 =	sld [smem:$0x3FB7]  }
0x2f: {  	lr =	sadd.s32 s0, s3;
	s0 =	sld [smem:$0x3FAE]  }
0x30: {  	s3 =	sld [smem:$0x3FB1]  }
0x31: {  	[smem:$0x3FBA] =	sst s10  }
0x32: {  	s10 =	sld [smem:$0x3FB8];
	_ =	sdelay $0x3  }
0x33: {  	p0 =	seq.s32 s10, $0x1;
	s10 =	sld [smem:$0x3FBA];
	_ =	sdelay $0x3  }
0x34: {  	[smem:$0x3FBA] =	sst s10  }
0x35: {  	s10 =	sld [smem:$0x3FB9];
	_ =	sdelay $0x3  }
0x36: {  	p1 =	seq.s32 s10, $0x1;
	s10 =	sld [smem:$0x3FBA];
	_ =	sdelay $0x3  }
0x37: {  	[smem:$0x3FBA] =	sst s10  }
0x38: {  	s10 =	sld [smem:$0x3FBB]  }
0x39: {  	_ = 	snop;
	(pc) =	sbr.ind lr, $3  }
0x3a: {  	_ = 	snop  }
0x3b: {  	_ = 	snop  }
0x3c: {  	p2 =	seq.s32 s10, $0x1;
	s10 =	sld [smem:$0x3FBA]  }
0x3d: {  	_ =	shalt  }
0x3e: {  	_ =	shalt  }
0x3f: {  	_ =	shalt  }
0x40: {  	_ =	shalt  }
0x41: {  	_ =	shalt  }
0x42: {  	_ =	shalt  }
0x43: {  	_ =	shalt  }
0x44: {  	_ =	shalt  }
0x45: {  	_ =	shalt  }
0x46: {  	_ =	shalt  }
0x47: {  	_ =	shalt  }
0x48: {  	_ =	shalt  }
0x49: {  	_ =	shalt  }
0x4a: {  	_ =	shalt  }
0x4b: {  	_ =	shalt  }
0x4c: {  	_ =	shalt  }
0x4d: {  	_ =	shalt  }
0x4e: {  	_ =	shalt  }
0x4f: {  	_ =	shalt  }
0x50: {  	_ =	shalt  }
0x51: {  	_ =	shalt  }
0x52: {  	_ =	shalt  }
0x53: {  	_ =	shalt  }
0x54: {  	_ =	shalt  }
0x55: {  	_ =	shalt  }
0x56: {  	_ =	shalt  }
0x57: {  	_ =	shalt  }
0x58: {  	_ =	shalt  }
0x59: {  	_ =	shalt  }
0x5a: {  	_ =	shalt  }
0x5b: {  	_ =	shalt  }
0x5c: {  	_ =	shalt  }
0x5d: {  	_ =	shalt  }
0x5e: {  	_ =	shalt  }
0x5f: {  	_ =	shalt  }
0x60: {  	_ =	shalt  }
0x61: {  	_ =	shalt  }
0x62: {  	_ =	shalt  }
0x63: {  	_ =	shalt  }
0x64: {  	_ =	shalt  }
0x65: {  	_ =	shalt  }
0x66: {  	_ =	shalt  }
0x67: {  	_ =	shalt  }
0x68: {  	_ =	shalt  }
0x69: {  	_ =	shalt  }
0x6a: {  	_ =	shalt  }
0x6b: {  	_ =	shalt  }
0x6c: {  	_ =	shalt  }
0x6d: {  	_ =	shalt  }
0x6e: {  	_ =	shalt  }
0x6f: {  	_ =	shalt  }
0x70: {  	_ =	shalt  }
0x71: {  	_ =	shalt  }
0x72: {  	_ =	shalt  }
0x73: {  	_ =	shalt  }
0x74: {  	_ =	shalt  }
0x75: {  	_ =	shalt  }
0x76: {  	_ =	shalt  }
0x77: {  	_ =	shalt  }
0x78: {  	_ =	shalt  }
0x79: {  	_ =	shalt  }
0x7a: {  	_ =	shalt  }
0x7b: {  	_ =	shalt  }
0x7c: {  	_ =	shalt  }
0x7d: {  	_ =	shalt  }
0x7e: {  	_ =	shalt  }
0x7f: {  	_ =	shalt  }
0x80: {  	_ =	shalt  }
0x81: {  	_ =	shalt  }
0x82: {  	_ =	shalt  }
0x83: {  	_ =	shalt  }
0x84: {  	_ =	shalt  }
0x85: {  	_ =	shalt  }
0x86: {  	_ =	shalt  }
0x87: {  	_ =	shalt  }
.Lfunc_end0:
.L_simem_size_0:
called_computation.1_lowered:
.L_overlay_start_0:
0x88: {  	s2 =	sld [smem:$0x3FD9]  }
0x89: {  	s3 =	sld [smem:$0x3FFE];
	_ =	sdelay $0x1  }
0x8a: {  	s1 =	srdreg.scid  }
0x8b: {  	s0 =	sand.u32 $0x1, s1  }
0x8c: {  	s17 =	sshll.u32 s0, $0xA;
	s2 =	sadd.s32 s3, s2  }
0x8d: {  	s2 =	sadd.s32 s2, s17  }
0x8e: {  	[smem:$0x3FC6] =	sst s2  }
0x8f: {  	_ = 	snop  }
0x90: {  	s2 =	sld [smem:$0x3FD0];
	(tm) =	ssettm $0x1  }
0x91: {  	s18 =	sld [smem:$0x3FFB];
	_ =	sdelay $0x3  }
0x92: {  	_ =	strace s18  }
0x93: {  	s3 =	sld [smem:$0x3FFC];
	_ =	sdelay $0x3  }
0x94: {  	_ =	strace s3  }
0x95: {  	s3 =	sld [smem:$0x3FFD];
	_ =	sdelay $0x3  }
0x96: {  	_ =	strace s3  }
0x97: {  	_ =	strace $0x8FFFFFFF  }
0x98: {  	s19 =	sld [smem:$0x3FDB];
	_ =	sdelay $0x1  }
0x99: {  	s4 =	simm.s32 $_scs_section_size  }
0x9a: {  	s5 =	simm.s32 $_size__tile_overlayer_lowered;
	s6 =	simm.s32 $_tile_overlayer_lowered  }
0x9b: {  	s22 =	simm.s32 $0x1BFF;
	s21 =	sshll.u32 s6, $0x1;
	s3 =	sadd.s32 s4, s19  }
0x9c: {  	s7 =	simm.s32 $0x0;
	s20 =	sshll.u32 s5, $0x1;
	s5 =	sadd.s32 s21, s3  }
0x9d: {  	[timem:s7], [sflag:s22] =	dma.local [hbm:s5], s20  }
0x9e: {  	_ =	swait.ge [sflag:s22], s20  }
0x9f: {  	s4 =	ssub.s32 $0x0, s20;
	[sflag:s22] =	ssyncset.done $0x0  }
0xa0: {  	[sflag:s22] =	ssyncadd.s32 s4;
	_ =	sdelay $0x1  }
0xa1: {  	s23 =	simm.s32 $0x1B8B  }
0xa2: {  	_ =	swait.ge [sflag:s23], $0x1  }
0xa3: {  	[sflag:s23] =	ssyncset.done $0x0  }
0xa4: {  	s25 =	simm.s32 $0x1B8E;
	s24 =	sld [smem:$0x3FFE];
	[sflag:s23] =	ssyncadd.s32 $0xFFFFFFFF  }
0xa5: {  	s26 =	simm.s32 $execute0_lowered;
	[smem:$0x3FD2] =	sst s25  }
0xa6: {  	s5 =	sshll.u32 s26, $0x1;
	_ =	strace $0x80000049;
	[dreg:$0x1] =	wrdreg $0xFFFFFFFF  }
0xa7: {  	s28 =	simm.s32 $_size_execute0_lowered;
	s3 =	sadd.s32 s3, s5;
	[dreg:$0x0] =	wrdreg $0x0  }
0xa8: {  	s5 =	sshll.u32 s28, $0x1;
	[dreg:$0x2] =	wrdreg s3  }
0xa9: {  	[dreg:$0x3] =	wrdreg s5  }
0xaa: {  	[dreg:$0x4] =	wrdreg $0xC0  }
0xab: {  	_ =	task [dreg:s7], $0x5FFFF  }
0xac: {  	[dreg:$0x1] =	wrdreg $0xFFFFFFFF  }
0xad: {  	[dreg:$0x0] =	wrdreg $0x60  }
0xae: {  	[dreg:$0x2] =	wrdreg s24  }
0xaf: {  	[dreg:$0x3] =	wrdreg s2  }
0xb0: {  	[dreg:$0x4] =	wrdreg $0x9  }
0xb1: {  	_ =	task.clear_ibuf [dreg:s7], $0x5FFFF;
	_ =	strace $0x90000049  }
0xb2: {  	s29 =	simm.s32 $0x9;
	_ =	strace $0x8000004B  }
0xb3: {  	_ =	swait.ge [sflag:s29], $0x1  }
0xb4: {  	[sflag:s29] =	ssyncadd.s32 $0xFFFFFFFF  }
0xb5: {  	_ =	strace $0x9000004B  }
0xb6: {  	_ =	sfence  }
0xb7: {  	s30 =	sld [smem:$0x0];
	_ =	sdelay $0x2  }
0xb8: {  	s31 =	sshll.u32 s1, $0xD;
	s1 =	sshrl.u32 s1, $0x2  }
0xb9: {  	s3 =	sand.u32 $0x4000, s31;
	s1 =	sadd.s32 s1, s30  }
0xba: {  	s0 =	sor.u32 s3, s0;
	s1 =	sshll.u32 s1, $0x11  }
0xbb: {  	s0 =	sor.u32 s1, s0  }
0xbc: {  	s0 =	sadd.s32 $0x8F2B, s0  }
0xbd: {  	[sflag:s0] =	ssyncadd.remote.s32 $0x1  }
0xbe: {  	_ =	sfence.sel $0xFFFF  }
0xbf: {  	[dreg:$0x0] =	wrdreg $0xFFFFFFFF;
	(pc) =	sbr.abs _section_cstart, $3  }
0xc0: {  	[dreg:$0x1] =	wrdreg $0xFFFFFFFF  }
0xc1: {  	_ =	task.clear_ibuf [dreg:s7], $0x2FFFF;
	_ =	strace $0x9FFFFFFF  }
0xc2: {  	(tm) =	ssettm $0x7FFFFFFF  }
0xc3: {  	_ =	shalt  }
tec
execute0_lowered:
.L_overlay_start_1:
0x0: {  	(tag) =	ssettag $0x1  }
0x1: {  	s1 =	srdreg.scid;
	s0 =	stileid.u32  }
0x2: {  	s19 =	sand.u32 $0x1, s1;
	s31 =	sshll.u32 s0, $0x1  }
0x3: {  	s11 =	sor.u32 s19, s31  }
0x4: {  	s3 =	smul.u32 $0x140, s11  }
0x5: {  	s13 =	rddreg [dreg:$0x0]  }
0x6: {  	s12 =	rddreg [dreg:$0x1];
	s2 =	simm.s32 $0x0;
	s3 =	sshrl.u32 s3, $0x3  }
0x7: {  	s4 =	simm.s32 $0x2;
	[smem:$0x7FF] =	sst s2;
	s9 =	sadd.s32 s3, s13  }
0x8: {  	s1 =	rddreg [dreg:$0x2];
	_ =	strace $0x8000004A;
	s3 =	sadd.s32 $0x1400, s9  }
0x9: {  	[tilespmem:s2], [sflag:$0x2] =	stream.linear.gather [hbm4b:s3+s2], $0x50, $0x38;
	[tilespmem:$0xA200] =	vst v63  }
0xa: {  	_ =	swait.ge [sflag:s4], $0x50  }
0xb: {  	[sflag:s4] =	ssyncset.done $0x0  }
0xc: {  	s6 =	simm.s32 $0x80;
	s5 =	sadd.s32 $0x140A, s9;
	[sflag:s4] =	ssyncadd.s32 $0xFFFFFFB0  }
0xd: {  	[tilespmem:s6], [sflag:$0x2] =	stream.linear.gather [hbm4b:s5+s2], $0x50, $0x38;
	[tilespmem:$0xA200] =	vst v63  }
0xe: {  	_ =	swait.ge [sflag:s4], $0x50  }
0xf: {  	[sflag:s4] =	ssyncset.done $0x0  }
0x10: {  	s8 =	simm.s32 $0x100;
	s7 =	sadd.s32 $0x1414, s9;
	[sflag:s4] =	ssyncadd.s32 $0xFFFFFFB0  }
0x11: {  	[tilespmem:s8], [sflag:$0x2] =	stream.linear.gather [hbm4b:s7+s2], $0x50, $0x38;
	[tilespmem:$0xA200] =	vst v63  }
0x12: {  	_ =	swait.ge [sflag:s4], $0x50  }
0x13: {  	[sflag:s4] =	ssyncset.done $0x0  }
0x14: {  	s10 =	simm.s32 $0x180;
	s9 =	sadd.s32 $0x141E, s9;
	[sflag:s4] =	ssyncadd.s32 $0xFFFFFFB0  }
0x15: {  	[tilespmem:s10], [sflag:$0x2] =	stream.linear.gather [hbm4b:s9+s2], $0x50, $0x38;
	[tilespmem:$0xA200] =	vst v63  }
0x16: {  	s11 =	smul.u32 $0x1400, s11;
	_ =	swait.ge [sflag:s4], $0x50  }
0x17: {  	[sflag:s4] =	ssyncset.done $0x0  }
0x18: {  	s11 =	sadd.s32 s12, s11;
	s12 =	simm.s32 $0x200;
	[sflag:s4] =	ssyncadd.s32 $0xFFFFFFB0  }
0x19: {  	[tilespmem:s12], [sflag:$0x2] =	stream.linear.gather [hbm4b:s11+s2], $0xA000, $0x38;
	[tilespmem:$0xA200] =	vst v63  }
0x1a: {  	_ =	swait.ge [sflag:s4], $0xA000  }
0x1b: {  	[sflag:s4] =	ssyncset.done $0x0  }
0x1c: {  	s14 =	simm.s32 $0x50;
	s13 =	sadd.s32 $0x1A00, s13;
	[sflag:s4] =	ssyncadd.s32 $0xFFFF6000  }
0x1d: {  	[hbm4b:s13+s14] =	stream.indirect.scatter [tilespmem:s12], [sflag:$0x1], $0x80, s2, s14, $0xb8;
	[tilespmem:$0xA200] =	vst v63  }
0x1e: {  	s15 =	simm.s32 $0x2A00  }
0x1f: {  	[hbm4b:s13+s14] =	stream.indirect.scatter [tilespmem:s15], [sflag:$0x1], $0x80, s6, s14, $0xb8;
	[tilespmem:$0xA200] =	vst v63  }
0x20: {  	s16 =	simm.s32 $0x5200  }
0x21: {  	[hbm4b:s13+s14] =	stream.indirect.scatter [tilespmem:s16], [sflag:$0x1], $0x80, s8, s14, $0xb8;
	[tilespmem:$0xA200] =	vst v63  }
0x22: {  	s18 =	simm.s32 $0x7A00;
	s17 =	simm.s32 $0x1  }
0x23: {  	[hbm4b:s13+s14] =	stream.indirect.scatter [tilespmem:s18], [sflag:$0x1], $0x80, s10, s14, $0xb8;
	[tilespmem:$0xA200] =	vst v63  }
0x24: {  	_ =	swait.ge [sflag:s17], $0x2800  }
0x25: {  	s19 =	ssub.s32 $0x2, s19;
	[sflag:s17] =	ssyncset.done $0x0  }
0x26: {  	s20 =	sshrl.u32 s19, $0x1;
	[sflag:s17] =	ssyncadd.s32 $0xFFFFD800  }
0x27: {  	s19 =	ssub.s32 s19, s20;
	_ =	swait.ge [sflag:s17], $0x2800  }
0x28: {  	s19 =	smax.u32 s19, $0x1;
	[sflag:s17] =	ssyncset.done $0x0  }
0x29: {  	p0 =	sne.s32 s19, $0x1;
	[sflag:s17] =	ssyncadd.s32 $0xFFFFD800  }
.Ltmp0:
0x2a: {  	_ =	swait.ge [sflag:s17], $0x2800;
	(pc) =	sbr.rel @!p0 .LBB2_2-.Ltmp0, $4  }
0x2b: {  	[sflag:s17] =	ssyncset.done $0x0  }
0x2c: {  	[sflag:s17] =	ssyncadd.s32 $0xFFFFD800  }
0x2d: {  	_ =	swait.ge [sflag:s17], $0x2800  }
0x2e: {  	s19 =	sadd.s32 $0xFFFFFFFF, s19;
	[sflag:s17] =	ssyncset.done $0x0  }
.LBB2_1:
0x2f: {  	p0 =	sne.s32 s19, $0x1;
	s19 =	sadd.s32 $0xFFFFFFFF, s19;
	[sflag:s17] =	ssyncadd.s32 $0xFFFFD800  }
0x30: {  	[tilespmem:s2], [sflag:$0x2] =	stream.linear.gather [hbm4b:s3+s2], $0x50, $0x38;
	[tilespmem:$0xA200] =	vst v63  }
0x31: {  	_ =	swait.ge [sflag:s4], $0x50  }
0x32: {  	[sflag:s4] =	ssyncset.done $0x0  }
0x33: {  	[sflag:s4] =	ssyncadd.s32 $0xFFFFFFB0  }
0x34: {  	[tilespmem:s6], [sflag:$0x2] =	stream.linear.gather [hbm4b:s5+s2], $0x50, $0x38;
	[tilespmem:$0xA200] =	vst v63  }
0x35: {  	_ =	swait.ge [sflag:s4], $0x50  }
0x36: {  	[sflag:s4] =	ssyncset.done $0x0  }
0x37: {  	[sflag:s4] =	ssyncadd.s32 $0xFFFFFFB0  }
0x38: {  	[tilespmem:s8], [sflag:$0x2] =	stream.linear.gather [hbm4b:s7+s2], $0x50, $0x38;
	[tilespmem:$0xA200] =	vst v63  }
0x39: {  	_ =	swait.ge [sflag:s4], $0x50  }
0x3a: {  	[sflag:s4] =	ssyncset.done $0x0  }
0x3b: {  	[sflag:s4] =	ssyncadd.s32 $0xFFFFFFB0  }
0x3c: {  	[tilespmem:s10], [sflag:$0x2] =	stream.linear.gather [hbm4b:s9+s2], $0x50, $0x38;
	[tilespmem:$0xA200] =	vst v63  }
0x3d: {  	_ =	swait.ge [sflag:s4], $0x50  }
0x3e: {  	[sflag:s4] =	ssyncset.done $0x0  }
0x3f: {  	[sflag:s4] =	ssyncadd.s32 $0xFFFFFFB0  }
0x40: {  	[tilespmem:s12], [sflag:$0x2] =	stream.linear.gather [hbm4b:s11+s2], $0xA000, $0x38;
	[tilespmem:$0xA200] =	vst v63  }
0x41: {  	_ =	swait.ge [sflag:s4], $0xA000  }
0x42: {  	[sflag:s4] =	ssyncset.done $0x0  }
0x43: {  	[sflag:s4] =	ssyncadd.s32 $0xFFFF6000  }
0x44: {  	[hbm4b:s13+s14] =	stream.indirect.scatter [tilespmem:s12], [sflag:$0x1], $0x80, s2, s14, $0xb8;
	[tilespmem:$0xA200] =	vst v63  }
0x45: {  	_ = 	snop  }
0x46: {  	[hbm4b:s13+s14] =	stream.indirect.scatter [tilespmem:s15], [sflag:$0x1], $0x80, s6, s14, $0xb8;
	[tilespmem:$0xA200] =	vst v63  }
0x47: {  	_ = 	snop  }
0x48: {  	[hbm4b:s13+s14] =	stream.indirect.scatter [tilespmem:s16], [sflag:$0x1], $0x80, s8, s14, $0xb8;
	[tilespmem:$0xA200] =	vst v63  }
0x49: {  	_ = 	snop  }
0x4a: {  	[hbm4b:s13+s14] =	stream.indirect.scatter [tilespmem:s18], [sflag:$0x1], $0x80, s10, s14, $0xb8;
	[tilespmem:$0xA200] =	vst v63  }
0x4b: {  	_ =	swait.ge [sflag:s17], $0x2800  }
0x4c: {  	[sflag:s17] =	ssyncset.done $0x0  }
0x4d: {  	[sflag:s17] =	ssyncadd.s32 $0xFFFFD800  }
0x4e: {  	_ =	swait.ge [sflag:s17], $0x2800  }
0x4f: {  	[sflag:s17] =	ssyncset.done $0x0  }
0x50: {  	[sflag:s17] =	ssyncadd.s32 $0xFFFFD800  }
.Ltmp1:
0x51: {  	_ =	swait.ge [sflag:s17], $0x2800;
	(pc) =	sbr.rel @p0 .LBB2_1-.Ltmp1, $4  }
0x52: {  	[sflag:s17] =	ssyncset.done $0x0  }
0x53: {  	[sflag:s17] =	ssyncadd.s32 $0xFFFFD800  }
0x54: {  	_ =	swait.ge [sflag:s17], $0x2800  }
0x55: {  	[sflag:s17] =	ssyncset.done $0x0  }
.LBB2_2:
0x56: {  	[sflag:s17] =	ssyncadd.s32 $0xFFFFD800  }
0x57: {  	_ =	sfence.sel $0x180000  }
0x58: {  	[bflag:$0x0] =	sbarrier.arrive $0xFFFF  }
0x59: {  	p0 =	sne.s32 s0, $0x0;
	_ =	strace $0x9000004A  }
0x5a: {  	s0 =	sadd.s32 @!p0 $0x100000, s1;
	[bflag:$0x2] =	sbarrier.arrive $0xFFFF  }
0x5b: {  	[sflag:s0] =	ssyncadd.tile.s32 @!p0 $0x1;
	_ =	shalt  }
.Lfunc_end2:
_tile_overlayer_lowered:
.L_overlay_start_2:
0x5c: {  	(tag) =	ssettag $0x2  }
0x5d: {  	s0 =	rddreg [dreg:$0x0];
	s2 =	stileid.u32  }
0x5e: {  	s1 =	rddreg [dreg:$0x1];
	p0 =	sne.s32 s2, $0x0  }
0x5f: {  	s3 =	rddreg [dreg:$0x2];
	[bflag:$0x3] =	sbarrier.arrive $0xFFFF;
	s2 =	simm.s32 @!p0 $0x1C02  }
0x60: {  	[timem:s3], [sflag:s2] =	dma.local @!p0 [hbm:s0], s1  }
0x61: {  	s0 =	simm.s32 @!p0 $0x2  }
0x62: {  	_ =	swait.ge @!p0 [sflag:s0], s1  }
0x63: {  	s1 =	ssub.s32 @!p0 $0x0, s1;
	[sflag:s0] =	ssyncset.done @!p0 $0x0  }
0x64: {  	[sflag:s0] =	ssyncadd.s32 @!p0 s1  }
0x65: {  	[bflag:$0x3] =	sbarrier.arrive $0xFFFF  }
0x66: {  	_ =	shalt  }

// kernel: kernel.7.cloned.1.call-start
scs
__scs_entry_jumppad:
0x0: {  	(pc) =	sbr.rel $0x88, $3  }
0x1: {  	(tag) =	ssettag $0x0;
	lr =	simm.s32 $0x1  }
0x2: {  	[smem:$0x3F9F] =	sst lr;
	_ =	strace $0xD0000000  }
0x3: {  	_ = 	snop  }
0x4: {  	_ = 	snop  }
0x5: {  	_ = 	snop  }
0x6: {  	_ = 	snop  }
0x7: {  	_ = 	snop  }
__scs_overlays_trampoline_lowered:
0x8: {  	[smem:$0x3FAE] =	sst s0  }
0x9: {  	[smem:$0x3FAF] =	sst s1  }
0xa: {  	[smem:$0x3FB0] =	sst s2  }
0xb: {  	[smem:$0x3FB1] =	sst s3  }
0xc: {  	[smem:$0x3FB2] =	sst s4  }
0xd: {  	[smem:$0x3FB3] =	sst s5  }
0xe: {  	[smem:$0x3FB4] =	sst s6  }
0xf: {  	[smem:$0x3FB5] =	sst s7  }
0x10: {  	[smem:$0x3FB6] =	sst s8  }
0x11: {  	[smem:$0x3FB7] =	sst s9;
	s0 =	simm.s32 @!p0 $0x0  }
0x12: {  	s1 =	sld [smem:$0x3F9D];
	s0 =	simm.s32 @p0 $0x1  }
0x13: {  	[smem:$0x3FB8] =	sst s0;
	s0 =	simm.s32 @!p1 $0x0  }
0x14: {  	s2 =	sld [smem:$0x3F9C];
	s0 =	simm.s32 @p1 $0x1  }
0x15: {  	[smem:$0x3FB9] =	sst s0;
	s0 =	simm.s32 @!p2 $0x0  }
0x16: {  	s3 =	sld [smem:$0x3FDB];
	s0 =	simm.s32 @p2 $0x1  }
0x17: {  	s4 =	simm.s32 $0x1BF5;
	[smem:$0x3FBB] =	sst s0  }
0x18: {  	s0 =	sld [smem:$0x3F9E];
	_ =	swait.ge [sflag:s4], $0x0  }
0x19: {  	s7 =	sld [smem:$0x3F9F]  }
0x1a: {  	s8 =	sadd.s32 $0xFFFFE003, lr  }
0x1b: {  	s9 =	sadd.s32 $0xFFFFFEF7, lr;
	s5 =	simm.s32 $0xFFFFFFFF;
	p2 =	slt.u32 s8, $0xFFFFF086  }
0x1c: {  	p1 =	slt.u32 s9, $0xF7A;
	s5 =	simm.s32 @!p2 $0x0  }
0x1d: {  	s5 =	simm.s32 @p1 $0x1;
	p0 =	seq.s32 s7, s2  }
0x1e: {  	s7 =	smul.u32 @!p0 $0xF7A, s2;
	p2 =	seq.s32 @!p0 s5, $0x0  }
0x1f: {  	s9 =	smul.u32 $0xF7A, s1;
	s8 =	simm.s32 @!p0 $0x1BF5;
	p2 =	por !p2, p0  }
0x20: {  	[sflag:s8] =	ssyncset.s32 @!p0 $0xFFFFF086;
	s6 =	sadd.s32 @!p0 s3, s7;
	s7 =	simm.s32 @!p0 $0x108  }
0x21: {  	s3 =	sadd.s32 s3, s9;
	s6 =	sadd.s32 @!p0 $0x88, s6;
	s7 =	simm.s32 @p2 $0x1082  }
0x22: {  	[simem:s7], [sflag:s8] =	dma.local @!p0 [hbm:s6], $0xF7A  }
0x23: {  	s9 =	sor.u32 $0xD0000000, s2;
	s6 =	simm.s32 $0x108;
	_ =	swait.ge @!p0 [sflag:s8], $0x0  }
0x24: {  	s3 =	sadd.s32 $0x88, s3;
	s6 =	simm.s32 @!p1 $0x1082;
	[sflag:s4] =	ssyncset.s32 $0xFFFFF086  }
0x25: {  	[simem:s6], [sflag:s4] =	dma.local [hbm:s3], $0xF7A  }
0x26: {  	[smem:$0x3F9F] =	sst s1;
	(tag) =	ssettag s2;
	_ =	strace s9  }
0x27: {  	s1 =	sld [smem:$0x3FAF]  }
0x28: {  	s2 =	sld [smem:$0x3FB0]  }
0x29: {  	s4 =	sld [smem:$0x3FB2]  }
0x2a: {  	p0 =	seq.s32 s5, $0x0;
	s5 =	sld [smem:$0x3FB3]  }
0x2b: {  	s6 =	sld [smem:$0x3FB4]  }
0x2c: {  	s7 =	sld [smem:$0x3FB5]  }
0x2d: {  	s3 =	simm.s32 $0x108;
	s8 =	sld [smem:$0x3FB6]  }
0x2e: {  	s3 =	simm.s32 @!p0 $0x1082;
	s9 =	sld [smem:$0x3FB7]  }
0x2f: {  	lr =	sadd.s32 s0, s3;
	s0 =	sld [smem:$0x3FAE]  }
0x30: {  	s3 =	sld [smem:$0x3FB1]  }
0x31: {  	[smem:$0x3FBA] =	sst s10  }
0x32: {  	s10 =	sld [smem:$0x3FB8];
	_ =	sdelay $0x3  }
0x33: {  	p0 =	seq.s32 s10, $0x1;
	s10 =	sld [smem:$0x3FBA];
	_ =	sdelay $0x3  }
0x34: {  	[smem:$0x3FBA] =	sst s10  }
0x35: {  	s10 =	sld [smem:$0x3FB9];
	_ =	sdelay $0x3  }
0x36: {  	p1 =	seq.s32 s10, $0x1;
	s10 =	sld [smem:$0x3FBA];
	_ =	sdelay $0x3  }
0x37: {  	[smem:$0x3FBA] =	sst s10  }
0x38: {  	s10 =	sld [smem:$0x3FBB]  }
0x39: {  	_ = 	snop;
	(pc) =	sbr.ind lr, $3  }
0x3a: {  	_ = 	snop  }
0x3b: {  	_ = 	snop  }
0x3c: {  	p2 =	seq.s32 s10, $0x1;
	s10 =	sld [smem:$0x3FBA]  }
0x3d: {  	_ =	shalt  }
0x3e: {  	_ =	shalt  }
0x3f: {  	_ =	shalt  }
0x40: {  	_ =	shalt  }
0x41: {  	_ =	shalt  }
0x42: {  	_ =	shalt  }
0x43: {  	_ =	shalt  }
0x44: {  	_ =	shalt  }
0x45: {  	_ =	shalt  }
0x46: {  	_ =	shalt  }
0x47: {  	_ =	shalt  }
0x48: {  	_ =	shalt  }
0x49: {  	_ =	shalt  }
0x4a: {  	_ =	shalt  }
0x4b: {  	_ =	shalt  }
0x4c: {  	_ =	shalt  }
0x4d: {  	_ =	shalt  }
0x4e: {  	_ =	shalt  }
0x4f: {  	_ =	shalt  }
0x50: {  	_ =	shalt  }
0x51: {  	_ =	shalt  }
0x52: {  	_ =	shalt  }
0x53: {  	_ =	shalt  }
0x54: {  	_ =	shalt  }
0x55: {  	_ =	shalt  }
0x56: {  	_ =	shalt  }
0x57: {  	_ =	shalt  }
0x58: {  	_ =	shalt  }
0x59: {  	_ =	shalt  }
0x5a: {  	_ =	shalt  }
0x5b: {  	_ =	shalt  }
0x5c: {  	_ =	shalt  }
0x5d: {  	_ =	shalt  }
0x5e: {  	_ =	shalt  }
0x5f: {  	_ =	shalt  }
0x60: {  	_ =	shalt  }
0x61: {  	_ =	shalt  }
0x62: {  	_ =	shalt  }
0x63: {  	_ =	shalt  }
0x64: {  	_ =	shalt  }
0x65: {  	_ =	shalt  }
0x66: {  	_ =	shalt  }
0x67: {  	_ =	shalt  }
0x68: {  	_ =	shalt  }
0x69: {  	_ =	shalt  }
0x6a: {  	_ =	shalt  }
0x6b: {  	_ =	shalt  }
0x6c: {  	_ =	shalt  }
0x6d: {  	_ =	shalt  }
0x6e: {  	_ =	shalt  }
0x6f: {  	_ =	shalt  }
0x70: {  	_ =	shalt  }
0x71: {  	_ =	shalt  }
0x72: {  	_ =	shalt  }
0x73: {  	_ =	shalt  }
0x74: {  	_ =	shalt  }
0x75: {  	_ =	shalt  }
0x76: {  	_ =	shalt  }
0x77: {  	_ =	shalt  }
0x78: {  	_ =	shalt  }
0x79: {  	_ =	shalt  }
0x7a: {  	_ =	shalt  }
0x7b: {  	_ =	shalt  }
0x7c: {  	_ =	shalt  }
0x7d: {  	_ =	shalt  }
0x7e: {  	_ =	shalt  }
0x7f: {  	_ =	shalt  }
0x80: {  	_ =	shalt  }
0x81: {  	_ =	shalt  }
0x82: {  	_ =	shalt  }
0x83: {  	_ =	shalt  }
0x84: {  	_ =	shalt  }
0x85: {  	_ =	shalt  }
0x86: {  	_ =	shalt  }
0x87: {  	_ =	shalt  }
.Lfunc_end0:
.L_simem_size_0:
called_computation_lowered:
.L_overlay_start_0:
0x88: {  	s2 =	sld [smem:$0x3FD9]  }
0x89: {  	s3 =	sld [smem:$0x3FFE];
	_ =	sdelay $0x1  }
0x8a: {  	s1 =	srdreg.scid  }
0x8b: {  	s0 =	sand.u32 $0x1, s1  }
0x8c: {  	s17 =	sshll.u32 s0, $0xA;
	s2 =	sadd.s32 s3, s2  }
0x8d: {  	s2 =	sadd.s32 s2, s17  }
0x8e: {  	[smem:$0x3FC6] =	sst s2  }
0x8f: {  	_ = 	snop  }
0x90: {  	s2 =	sld [smem:$0x3FD0];
	(tm) =	ssettm $0x1  }
0x91: {  	s18 =	sld [smem:$0x3FFB];
	_ =	sdelay $0x3  }
0x92: {  	_ =	strace s18  }
0x93: {  	s3 =	sld [smem:$0x3FFC];
	_ =	sdelay $0x3  }
0x94: {  	_ =	strace s3  }
0x95: {  	s3 =	sld [smem:$0x3FFD];
	_ =	sdelay $0x3  }
0x96: {  	_ =	strace s3  }
0x97: {  	_ =	strace $0x8FFFFFFF  }
0x98: {  	s19 =	sld [smem:$0x3FDB];
	_ =	sdelay $0x1  }
0x99: {  	s4 =	simm.s32 $_scs_section_size  }
0x9a: {  	s5 =	simm.s32 $_size__tile_overlayer_lowered;
	s6 =	simm.s32 $_tile_overlayer_lowered  }
0x9b: {  	s22 =	simm.s32 $0x1BFF;
	s21 =	sshll.u32 s6, $0x1;
	s3 =	sadd.s32 s4, s19  }
0x9c: {  	s7 =	simm.s32 $0x0;
	s20 =	sshll.u32 s5, $0x1;
	s5 =	sadd.s32 s21, s3  }
0x9d: {  	[timem:s7], [sflag:s22] =	dma.local [hbm:s5], s20  }
0x9e: {  	_ =	swait.ge [sflag:s22], s20  }
0x9f: {  	s4 =	ssub.s32 $0x0, s20;
	[sflag:s22] =	ssyncset.done $0x0  }
0xa0: {  	[sflag:s22] =	ssyncadd.s32 s4;
	_ =	sdelay $0x1  }
0xa1: {  	s23 =	simm.s32 $0x1B8B  }
0xa2: {  	_ =	swait.ge [sflag:s23], $0x1  }
0xa3: {  	[sflag:s23] =	ssyncset.done $0x0  }
0xa4: {  	s25 =	simm.s32 $0x1B8E;
	s24 =	sld [smem:$0x3FFE];
	[sflag:s23] =	ssyncadd.s32 $0xFFFFFFFF  }
0xa5: {  	s26 =	simm.s32 $execute0_lowered;
	[smem:$0x3FD2] =	sst s25  }
0xa6: {  	s5 =	sshll.u32 s26, $0x1;
	_ =	strace $0x80000046;
	[dreg:$0x1] =	wrdreg $0xFFFFFFFF  }
0xa7: {  	s28 =	simm.s32 $_size_execute0_lowered;
	s3 =	sadd.s32 s3, s5;
	[dreg:$0x0] =	wrdreg $0x0  }
0xa8: {  	s5 =	sshll.u32 s28, $0x1;
	[dreg:$0x2] =	wrdreg s3  }
0xa9: {  	[dreg:$0x3] =	wrdreg s5  }
0xaa: {  	[dreg:$0x4] =	wrdreg $0xC0  }
0xab: {  	_ =	task [dreg:s7], $0x5FFFF  }
0xac: {  	[dreg:$0x1] =	wrdreg $0xFFFFFFFF  }
0xad: {  	[dreg:$0x0] =	wrdreg $0x60  }
0xae: {  	[dreg:$0x2] =	wrdreg s24  }
0xaf: {  	[dreg:$0x3] =	wrdreg s2  }
0xb0: {  	[dreg:$0x4] =	wrdreg $0x9  }
0xb1: {  	_ =	task.clear_ibuf [dreg:s7], $0x5FFFF;
	_ =	strace $0x90000046  }
0xb2: {  	s29 =	simm.s32 $0x9;
	_ =	strace $0x80000048  }
0xb3: {  	_ =	swait.ge [sflag:s29], $0x1  }
0xb4: {  	[sflag:s29] =	ssyncadd.s32 $0xFFFFFFFF  }
0xb5: {  	_ =	strace $0x90000048  }
0xb6: {  	_ =	sfence  }
0xb7: {  	s30 =	sld [smem:$0x0];
	_ =	sdelay $0x2  }
0xb8: {  	s31 =	sshll.u32 s1, $0xD;
	s1 =	sshrl.u32 s1, $0x2  }
0xb9: {  	s3 =	sand.u32 $0x4000, s31;
	s1 =	sadd.s32 s1, s30  }
0xba: {  	s0 =	sor.u32 s3, s0;
	s1 =	sshll.u32 s1, $0x11  }
0xbb: {  	s0 =	sor.u32 s1, s0  }
0xbc: {  	s0 =	sadd.s32 $0x8F2B, s0  }
0xbd: {  	[sflag:s0] =	ssyncadd.remote.s32 $0x1  }
0xbe: {  	_ =	sfence.sel $0xFFFF  }
0xbf: {  	[dreg:$0x0] =	wrdreg $0xFFFFFFFF;
	(pc) =	sbr.abs _section_cstart, $3  }
0xc0: {  	[dreg:$0x1] =	wrdreg $0xFFFFFFFF  }
0xc1: {  	_ =	task.clear_ibuf [dreg:s7], $0x2FFFF;
	_ =	strace $0x9FFFFFFF  }
0xc2: {  	(tm) =	ssettm $0x7FFFFFFF  }
0xc3: {  	_ =	shalt  }
tec
execute0_lowered:
.L_overlay_start_1:
0x0: {  	(tag) =	ssettag $0x1  }
0x1: {  	s1 =	srdreg.scid;
	s0 =	stileid.u32  }
0x2: {  	s19 =	sand.u32 $0x1, s1;
	s31 =	sshll.u32 s0, $0x1  }
0x3: {  	s11 =	sor.u32 s19, s31  }
0x4: {  	s3 =	smul.u32 $0x140, s11  }
0x5: {  	s13 =	rddreg [dreg:$0x0]  }
0x6: {  	s12 =	rddreg [dreg:$0x1];
	s2 =	simm.s32 $0x0;
	s3 =	sshrl.u32 s3, $0x3  }
0x7: {  	s4 =	simm.s32 $0x2;
	[smem:$0x7FF] =	sst s2;
	s9 =	sadd.s32 s3, s13  }
0x8: {  	s1 =	rddreg [dreg:$0x2];
	_ =	strace $0x80000047;
	s3 =	sadd.s32 $0x1400, s9  }
0x9: {  	[tilespmem:s2], [sflag:$0x2] =	stream.linear.gather [hbm4b:s3+s2], $0x50, $0x38;
	[tilespmem:$0xA200] =	vst v63  }
0xa: {  	_ =	swait.ge [sflag:s4], $0x50  }
0xb: {  	[sflag:s4] =	ssyncset.done $0x0  }
0xc: {  	s6 =	simm.s32 $0x80;
	s5 =	sadd.s32 $0x140A, s9;
	[sflag:s4] =	ssyncadd.s32 $0xFFFFFFB0  }
0xd: {  	[tilespmem:s6], [sflag:$0x2] =	stream.linear.gather [hbm4b:s5+s2], $0x50, $0x38;
	[tilespmem:$0xA200] =	vst v63  }
0xe: {  	_ =	swait.ge [sflag:s4], $0x50  }
0xf: {  	[sflag:s4] =	ssyncset.done $0x0  }
0x10: {  	s8 =	simm.s32 $0x100;
	s7 =	sadd.s32 $0x1414, s9;
	[sflag:s4] =	ssyncadd.s32 $0xFFFFFFB0  }
0x11: {  	[tilespmem:s8], [sflag:$0x2] =	stream.linear.gather [hbm4b:s7+s2], $0x50, $0x38;
	[tilespmem:$0xA200] =	vst v63  }
0x12: {  	_ =	swait.ge [sflag:s4], $0x50  }
0x13: {  	[sflag:s4] =	ssyncset.done $0x0  }
0x14: {  	s10 =	simm.s32 $0x180;
	s9 =	sadd.s32 $0x141E, s9;
	[sflag:s4] =	ssyncadd.s32 $0xFFFFFFB0  }
0x15: {  	[tilespmem:s10], [sflag:$0x2] =	stream.linear.gather [hbm4b:s9+s2], $0x50, $0x38;
	[tilespmem:$0xA200] =	vst v63  }
0x16: {  	s11 =	smul.u32 $0x1400, s11;
	_ =	swait.ge [sflag:s4], $0x50  }
0x17: {  	[sflag:s4] =	ssyncset.done $0x0  }
0x18: {  	s11 =	sadd.s32 s12, s11;
	s12 =	simm.s32 $0x200;
	[sflag:s4] =	ssyncadd.s32 $0xFFFFFFB0  }
0x19: {  	[tilespmem:s12], [sflag:$0x2] =	stream.linear.gather [hbm4b:s11+s2], $0xA000, $0x38;
	[tilespmem:$0xA200] =	vst v63  }
0x1a: {  	_ =	swait.ge [sflag:s4], $0xA000  }
0x1b: {  	[sflag:s4] =	ssyncset.done $0x0  }
0x1c: {  	s14 =	simm.s32 $0x50;
	s13 =	sadd.s32 $0x1A00, s13;
	[sflag:s4] =	ssyncadd.s32 $0xFFFF6000  }
0x1d: {  	[hbm4b:s13+s14] =	stream.indirect.scatter [tilespmem:s12], [sflag:$0x1], $0x80, s2, s14, $0xb8;
	[tilespmem:$0xA200] =	vst v63  }
0x1e: {  	s15 =	simm.s32 $0x2A00  }
0x1f: {  	[hbm4b:s13+s14] =	stream.indirect.scatter [tilespmem:s15], [sflag:$0x1], $0x80, s6, s14, $0xb8;
	[tilespmem:$0xA200] =	vst v63  }
0x20: {  	s16 =	simm.s32 $0x5200  }
0x21: {  	[hbm4b:s13+s14] =	stream.indirect.scatter [tilespmem:s16], [sflag:$0x1], $0x80, s8, s14, $0xb8;
	[tilespmem:$0xA200] =	vst v63  }
0x22: {  	s18 =	simm.s32 $0x7A00;
	s17 =	simm.s32 $0x1  }
0x23: {  	[hbm4b:s13+s14] =	stream.indirect.scatter [tilespmem:s18], [sflag:$0x1], $0x80, s10, s14, $0xb8;
	[tilespmem:$0xA200] =	vst v63  }
0x24: {  	_ =	swait.ge [sflag:s17], $0x2800  }
0x25: {  	s19 =	ssub.s32 $0x2, s19;
	[sflag:s17] =	ssyncset.done $0x0  }
0x26: {  	s20 =	sshrl.u32 s19, $0x1;
	[sflag:s17] =	ssyncadd.s32 $0xFFFFD800  }
0x27: {  	s19 =	ssub.s32 s19, s20;
	_ =	swait.ge [sflag:s17], $0x2800  }
0x28: {  	s19 =	smax.u32 s19, $0x1;
	[sflag:s17] =	ssyncset.done $0x0  }
0x29: {  	p0 =	sne.s32 s19, $0x1;
	[sflag:s17] =	ssyncadd.s32 $0xFFFFD800  }
.Ltmp0:
0x2a: {  	_ =	swait.ge [sflag:s17], $0x2800;
	(pc) =	sbr.rel @!p0 .LBB2_2-.Ltmp0, $4  }
0x2b: {  	[sflag:s17] =	ssyncset.done $0x0  }
0x2c: {  	[sflag:s17] =	ssyncadd.s32 $0xFFFFD800  }
0x2d: {  	_ =	swait.ge [sflag:s17], $0x2800  }
0x2e: {  	s19 =	sadd.s32 $0xFFFFFFFF, s19;
	[sflag:s17] =	ssyncset.done $0x0  }
.LBB2_1:
0x2f: {  	p0 =	sne.s32 s19, $0x1;
	s19 =	sadd.s32 $0xFFFFFFFF, s19;
	[sflag:s17] =	ssyncadd.s32 $0xFFFFD800  }
0x30: {  	[tilespmem:s2], [sflag:$0x2] =	stream.linear.gather [hbm4b:s3+s2], $0x50, $0x38;
	[tilespmem:$0xA200] =	vst v63  }
0x31: {  	_ =	swait.ge [sflag:s4], $0x50  }
0x32: {  	[sflag:s4] =	ssyncset.done $0x0  }
0x33: {  	[sflag:s4] =	ssyncadd.s32 $0xFFFFFFB0  }
0x34: {  	[tilespmem:s6], [sflag:$0x2] =	stream.linear.gather [hbm4b:s5+s2], $0x50, $0x38;
	[tilespmem:$0xA200] =	vst v63  }
0x35: {  	_ =	swait.ge [sflag:s4], $0x50  }
0x36: {  	[sflag:s4] =	ssyncset.done $0x0  }
0x37: {  	[sflag:s4] =	ssyncadd.s32 $0xFFFFFFB0  }
0x38: {  	[tilespmem:s8], [sflag:$0x2] =	stream.linear.gather [hbm4b:s7+s2], $0x50, $0x38;
	[tilespmem:$0xA200] =	vst v63  }
0x39: {  	_ =	swait.ge [sflag:s4], $0x50  }
0x3a: {  	[sflag:s4] =	ssyncset.done $0x0  }
0x3b: {  	[sflag:s4] =	ssyncadd.s32 $0xFFFFFFB0  }
0x3c: {  	[tilespmem:s10], [sflag:$0x2] =	stream.linear.gather [hbm4b:s9+s2], $0x50, $0x38;
	[tilespmem:$0xA200] =	vst v63  }
0x3d: {  	_ =	swait.ge [sflag:s4], $0x50  }
0x3e: {  	[sflag:s4] =	ssyncset.done $0x0  }
0x3f: {  	[sflag:s4] =	ssyncadd.s32 $0xFFFFFFB0  }
0x40: {  	[tilespmem:s12], [sflag:$0x2] =	stream.linear.gather [hbm4b:s11+s2], $0xA000, $0x38;
	[tilespmem:$0xA200] =	vst v63  }
0x41: {  	_ =	swait.ge [sflag:s4], $0xA000  }
0x42: {  	[sflag:s4] =	ssyncset.done $0x0  }
0x43: {  	[sflag:s4] =	ssyncadd.s32 $0xFFFF6000  }
0x44: {  	[hbm4b:s13+s14] =	stream.indirect.scatter [tilespmem:s12], [sflag:$0x1], $0x80, s2, s14, $0xb8;
	[tilespmem:$0xA200] =	vst v63  }
0x45: {  	_ = 	snop  }
0x46: {  	[hbm4b:s13+s14] =	stream.indirect.scatter [tilespmem:s15], [sflag:$0x1], $0x80, s6, s14, $0xb8;
	[tilespmem:$0xA200] =	vst v63  }
0x47: {  	_ = 	snop  }
0x48: {  	[hbm4b:s13+s14] =	stream.indirect.scatter [tilespmem:s16], [sflag:$0x1], $0x80, s8, s14, $0xb8;
	[tilespmem:$0xA200] =	vst v63  }
0x49: {  	_ = 	snop  }
0x4a: {  	[hbm4b:s13+s14] =	stream.indirect.scatter [tilespmem:s18], [sflag:$0x1], $0x80, s10, s14, $0xb8;
	[tilespmem:$0xA200] =	vst v63  }
0x4b: {  	_ =	swait.ge [sflag:s17], $0x2800  }
0x4c: {  	[sflag:s17] =	ssyncset.done $0x0  }
0x4d: {  	[sflag:s17] =	ssyncadd.s32 $0xFFFFD800  }
0x4e: {  	_ =	swait.ge [sflag:s17], $0x2800  }
0x4f: {  	[sflag:s17] =	ssyncset.done $0x0  }
0x50: {  	[sflag:s17] =	ssyncadd.s32 $0xFFFFD800  }
.Ltmp1:
0x51: {  	_ =	swait.ge [sflag:s17], $0x2800;
	(pc) =	sbr.rel @p0 .LBB2_1-.Ltmp1, $4  }
0x52: {  	[sflag:s17] =	ssyncset.done $0x0  }
0x53: {  	[sflag:s17] =	ssyncadd.s32 $0xFFFFD800  }
0x54: {  	_ =	swait.ge [sflag:s17], $0x2800  }
0x55: {  	[sflag:s17] =	ssyncset.done $0x0  }
.LBB2_2:
0x56: {  	[sflag:s17] =	ssyncadd.s32 $0xFFFFD800  }
0x57: {  	_ =	sfence.sel $0x180000  }
0x58: {  	[bflag:$0x0] =	sbarrier.arrive $0xFFFF  }
0x59: {  	p0 =	sne.s32 s0, $0x0;
	_ =	strace $0x90000047  }
0x5a: {  	s0 =	sadd.s32 @!p0 $0x100000, s1;
	[bflag:$0x2] =	sbarrier.arrive $0xFFFF  }
0x5b: {  	[sflag:s0] =	ssyncadd.tile.s32 @!p0 $0x1;
	_ =	shalt  }
.Lfunc_end2:
_tile_overlayer_lowered:
.L_overlay_start_2:
0x5c: {  	(tag) =	ssettag $0x2  }
0x5d: {  	s0 =	rddreg [dreg:$0x0];
	s2 =	stileid.u32  }
0x5e: {  	s1 =	rddreg [dreg:$0x1];
	p0 =	sne.s32 s2, $0x0  }
0x5f: {  	s3 =	rddreg [dreg:$0x2];
	[bflag:$0x3] =	sbarrier.arrive $0xFFFF;
	s2 =	simm.s32 @!p0 $0x1C02  }
0x60: {  	[timem:s3], [sflag:s2] =	dma.local @!p0 [hbm:s0], s1  }
0x61: {  	s0 =	simm.s32 @!p0 $0x2  }
0x62: {  	_ =	swait.ge @!p0 [sflag:s0], s1  }
0x63: {  	s1 =	ssub.s32 @!p0 $0x0, s1;
	[sflag:s0] =	ssyncset.done @!p0 $0x0  }
0x64: {  	[sflag:s0] =	ssyncadd.s32 @!p0 s1  }
0x65: {  	[bflag:$0x3] =	sbarrier.arrive $0xFFFF  }
0x66: {  	_ =	shalt  }

</sc_bundles>
